<compile_context>
chip_gen: v7x
topology: tpu7x:2x2x1
jax: 0.10.2.dev20260603
libtpu: 0.0.44.dev20260713+nightly
codegen_flags: <defaults>
</compile_context>

<pallas_src>
import functools

import jax
import jax.numpy as jnp
from jax import lax
from jax.experimental import pallas as pl
from jax.experimental.pallas import tpu as pltpu
from jax.experimental.pallas import tpu_sc as plsc
from jax.experimental.layout import Layout, with_layout_constraint

E_DIM = 64
STREAM = 128
SUP = 512
K = SUP // STREAM
NBUF = 2


@functools.cache
def _build(B: int):
    info = plsc.get_sparse_core_info()
    nw = info.num_cores * info.num_subcores
    b_w = B // nw
    n_sup = b_w // SUP
    mesh = plsc.VectorSubcoreMesh(core_axis_name="c", subcore_axis_name="s")

    @functools.partial(
        pl.kernel,
        out_type=jax.ShapeDtypeStruct((B, E_DIM), jnp.float32),
        mesh=mesh,
        scratch_types=[
            pltpu.VMEM((NBUF, K, STREAM), jnp.int32),
            pltpu.VMEM((NBUF, SUP, E_DIM), jnp.float32),
            pltpu.SemaphoreType.DMA((NBUF,)),
        ],
        compiler_params=pltpu.CompilerParams(use_tc_tiling_on_sc=False),
    )
    def emb(x_hbm, w_hbm, out_hbm, idx_v, rows_v, gsem):
        wid = lax.axis_index("s") * info.num_cores + lax.axis_index("c")
        base = wid * b_w

        def issue(b, g):
            row0 = (base + g * SUP) // STREAM
            pltpu.sync_copy(x_hbm.at[pl.ds(row0, K)], idx_v.at[b])
            for k in range(K):
                pltpu.async_copy(
                    w_hbm.at[idx_v.at[b, k]],
                    rows_v.at[b, pl.ds(k * STREAM, STREAM)],
                    gsem.at[b],
                )

        def wait_gathers(b):
            pltpu.make_async_copy(
                w_hbm.at[pl.ds(0, SUP)], rows_v.at[b], gsem.at[b]
            ).wait()

        issue(0, 0)

        @pl.loop(0, n_sup, step=NBUF)
        def _outer(g0):
            for b in range(NBUF):
                g = g0 + b
                nb = (b + 1) % NBUF

                @pl.when(g + 1 < n_sup)
                def _prefetch():
                    issue(nb, g + 1)

                wait_gathers(b)
                pltpu.sync_copy(
                    rows_v.at[b], out_hbm.at[pl.ds(base + g * SUP, SUP)]
                )

    return emb


@jax.jit
def kernel(X, W):
    batch, seq = X.shape
    B = batch * seq
    flat_idx = (X.reshape(B).astype(jnp.int32) * 2).reshape(B // STREAM, STREAM)
    Wc = with_layout_constraint(
        W, Layout(major_to_minor=(0, 1), tiling=((8,),))
    )
    out = _build(B)(flat_idx, Wc)
    return out.reshape(batch, seq, E_DIM)

# --- scband reference (transcript-rebuilt; emitter-appended) ---
"""Pipeline reference for scband-embedding-42580305772962 (READ-ONLY COPY).

The authoritative reference and input builder live on the scoring server;
editing this copy changes nothing except your own understanding.
"""

import jax, jax.numpy as jnp
import numpy as np

VOCAB = 1000000
E_DIM = 64
BATCH = 4096
SEQ = 200


def setup_inputs(seed: int = 0) -> dict:
    key = jax.random.key(seed)
    k1, k2 = jax.random.split(key)
    X = jax.random.randint(k1, (BATCH, SEQ), 0, VOCAB)
    W = jax.random.normal(k2, (VOCAB, E_DIM), dtype=jnp.float32) * 0.02
    return {"X": X, "W": W}


def reference(X, W):
    # Embedding.forward: self._E(X) -> [m, max_num_1d_tokens, d]
    return jnp.take(W, X, axis=0)

if __name__ == "__main__":
    import jax
    _d = setup_inputs()
    print(jax.jit(kernel)(*tuple(_d.values())))

</pallas_src>

<mosaic_0001>
#map = affine_map<(d0, d1) -> (0, 0)>
module attributes {stable_mosaic.version = 14 : i64} {
  func.func @emb(%arg0: i32, %arg1: i32, %arg2: memref<6400x128xi32, #tpu.memory_space<hbm>>, %arg3: memref<1000000x64xf32, #tpu.memory_space<hbm>>, %arg4: memref<819200x64xf32, #tpu.memory_space<hbm>>, %arg5: memref<2x4x128xi32, #tpu.memory_space<vmem>>, %arg6: memref<2x512x64xf32, #tpu.memory_space<vmem>>, %arg7: memref<2x!tpu.dma_semaphore, #tpu.memory_space<semaphore_mem>>) attributes {dimension_semantics = [#tpu.dimension_semantics<core_parallel>, #tpu.dimension_semantics<subcore_parallel>], iteration_bounds = array<i64: 2, 16>, scalar_prefetch = 0 : i64, scratch_operands = 3 : i64, tpu.core_type = #tpu.core_type<sc_vector_subcore>, window_params = [{transform_indices = #map}, {transform_indices = #map}, {transform_indices = #map}]} {
    %mul3A = arith.constant 2 : i32
    %mul3A_0 = arith.muli %arg1, %mul3A : i32
    %add3A = arith.addi %mul3A_0, %arg0 : i32
    %mul3A_1 = arith.constant 25600 : i32
    %mul3A_2 = arith.muli %add3A, %mul3A_1 : i32
    %add3A_3 = arith.constant 0 : i32
    %add3A_4 = arith.addi %mul3A_2, %add3A_3 : i32
    %jit3A = arith.constant 128 : i32
    %div3A = arith.divsi %add3A_4, %jit3A : i32
    %sign3A = arith.constant 0 : i32
    %sign3A_5 = arith.cmpi sgt, %add3A_4, %sign3A : i32
    %sign3A_6 = arith.extui %sign3A_5 : i1 to i32
    %sign3A_7 = arith.constant 0 : i32
    %sign3A_8 = arith.cmpi slt, %add3A_4, %sign3A_7 : i32
    %sign3A_9 = arith.extui %sign3A_8 : i1 to i32
    %sign3A_10 = arith.subi %sign3A_6, %sign3A_9 : i32
    %sign3A_11 = arith.constant 0 : i32
    %sign3A_12 = arith.cmpi sgt, %jit3A, %sign3A_11 : i32
    %sign3A_13 = arith.extui %sign3A_12 : i1 to i32
    %sign3A_14 = arith.constant 0 : i32
    %sign3A_15 = arith.cmpi slt, %jit3A, %sign3A_14 : i32
    %sign3A_16 = arith.extui %sign3A_15 : i1 to i32
    %sign3A_17 = arith.subi %sign3A_13, %sign3A_16 : i32
    %ne3A = arith.cmpi ne, %sign3A_10, %sign3A_17 : i32
    %rem3A = arith.remsi %add3A_4, %jit3A : i32
    %ne3A_18 = arith.constant 0 : i32
    %ne3A_19 = arith.cmpi ne, %rem3A, %ne3A_18 : i32
    %and3A = arith.andi %ne3A, %ne3A_19 : i1
    %sub3A = arith.constant 1 : i32
    %sub3A_20 = arith.subi %div3A, %sub3A : i32
    %select_n3A = arith.select %and3A, %sub3A_20, %div3A : i32
    %run_scoped3A = arith.constant 0 : i32
    "tpu.region"() ({
      %run_scoped3A_88 = tpu.sem_alloc : memref<!tpu.dma_semaphore, #tpu.memory_space<semaphore_mem>>
      %dma_start3A_89 = arith.constant 0 : i32
      %dma_start3A_90 = arith.constant 0 : i32
      %dma_start3A_91 = tpu.memref_slice %arg5[%run_scoped3A, %dma_start3A_89, %dma_start3A_90] : memref<2x4x128xi32, #tpu.memory_space<vmem>> -> memref<1x4x128xi32, #tpu.memory_space<vmem>>
      %dma_start3A_92 = tpu.memref_squeeze %dma_start3A_91 : memref<1x4x128xi32, #tpu.memory_space<vmem>> -> memref<4x128xi32, #tpu.memory_space<vmem>>
      %dma_start3A_93 = arith.constant 0 : i32
      %dma_start3A_94 = tpu.memref_slice %arg2[%select_n3A, %dma_start3A_93] : memref<6400x128xi32, #tpu.memory_space<hbm>> -> memref<4x128xi32, #tpu.memory_space<hbm>>
      %dma_start3A_95 = arith.constant 0 : i32
      %dma_start3A_96 = arith.constant 0 : i32
      %dma_start3A_97 = tpu.memref_slice %arg5[%run_scoped3A, %dma_start3A_95, %dma_start3A_96] : memref<2x4x128xi32, #tpu.memory_space<vmem>> -> memref<1x4x128xi32, #tpu.memory_space<vmem>>
      %dma_start3A_98 = tpu.memref_squeeze %dma_start3A_97 : memref<1x4x128xi32, #tpu.memory_space<vmem>> -> memref<4x128xi32, #tpu.memory_space<vmem>>
      %dma_start3A_99 = arith.constant 0 : i32
      %dma_start3A_100 = tpu.memref_slice %arg2[%select_n3A, %dma_start3A_99] : memref<6400x128xi32, #tpu.memory_space<hbm>> -> memref<4x128xi32, #tpu.memory_space<hbm>>
      tpu.enqueue_dma source(%dma_start3A_100 : memref<4x128xi32, #tpu.memory_space<hbm>>) target(%dma_start3A_98 : memref<4x128xi32, #tpu.memory_space<vmem>>) target_semaphore(%run_scoped3A_88 : memref<!tpu.dma_semaphore, #tpu.memory_space<semaphore_mem>>)
      %dma_wait3A = arith.constant 0 : i32
      %dma_wait3A_101 = arith.constant 0 : i32
      %dma_wait3A_102 = tpu.memref_slice %arg5[%run_scoped3A, %dma_wait3A, %dma_wait3A_101] : memref<2x4x128xi32, #tpu.memory_space<vmem>> -> memref<1x4x128xi32, #tpu.memory_space<vmem>>
      %dma_wait3A_103 = tpu.memref_squeeze %dma_wait3A_102 : memref<1x4x128xi32, #tpu.memory_space<vmem>> -> memref<4x128xi32, #tpu.memory_space<vmem>>
      %dma_wait3A_104 = arith.constant 0 : i32
      %dma_wait3A_105 = tpu.memref_slice %arg2[%select_n3A, %dma_wait3A_104] : memref<6400x128xi32, #tpu.memory_space<hbm>> -> memref<4x128xi32, #tpu.memory_space<hbm>>
      %dma_wait3A_106 = arith.constant 0 : i32
      %dma_wait3A_107 = arith.constant 0 : i32
      %dma_wait3A_108 = tpu.memref_slice %arg5[%run_scoped3A, %dma_wait3A_106, %dma_wait3A_107] : memref<2x4x128xi32, #tpu.memory_space<vmem>> -> memref<1x4x128xi32, #tpu.memory_space<vmem>>
      %dma_wait3A_109 = tpu.memref_squeeze %dma_wait3A_108 : memref<1x4x128xi32, #tpu.memory_space<vmem>> -> memref<4x128xi32, #tpu.memory_space<vmem>>
      %dma_wait3A_110 = arith.constant 0 : i32
      %dma_wait3A_111 = tpu.memref_slice %arg2[%select_n3A, %dma_wait3A_110] : memref<6400x128xi32, #tpu.memory_space<hbm>> -> memref<4x128xi32, #tpu.memory_space<hbm>>
      tpu.wait_dma2 semaphore(%run_scoped3A_88 : memref<!tpu.dma_semaphore, #tpu.memory_space<semaphore_mem>>) src(%dma_wait3A_111 : memref<4x128xi32, #tpu.memory_space<hbm>>) dst(%dma_wait3A_109 : memref<4x128xi32, #tpu.memory_space<vmem>>)
      tpu.yield
    }) : () -> ()
    %dma_start3A = arith.constant 0 : i32
    %dma_start3A_21 = arith.constant 0 : i32
    %dma_start3A_22 = arith.constant 0 : i32
    %dma_start3A_23 = arith.constant 0 : i32
    %dma_start3A_24 = arith.constant 0 : i32
    %dma_start3A_25 = arith.constant 0 : i32
    %dma_start3A_26 = tpu.memref_slice %arg6[%dma_start3A_22, %dma_start3A_24, %dma_start3A_25] : memref<2x512x64xf32, #tpu.memory_space<vmem>> -> memref<1x128x64xf32, #tpu.memory_space<vmem>>
    %dma_start3A_27 = tpu.memref_squeeze %dma_start3A_26 : memref<1x128x64xf32, #tpu.memory_space<vmem>> -> memref<128x64xf32, #tpu.memory_space<vmem>>
    %dma_start3A_28 = arith.constant 0 : i32
    %dma_start3A_29 = tpu.memref_slice %arg5[%dma_start3A, %dma_start3A_21, %dma_start3A_28] : memref<2x4x128xi32, #tpu.memory_space<vmem>> -> memref<1x1x128xi32, #tpu.memory_space<vmem>>
    %dma_start3A_30 = tpu.memref_squeeze %dma_start3A_29 : memref<1x1x128xi32, #tpu.memory_space<vmem>> -> memref<128xi32, #tpu.memory_space<vmem>>
    %dma_start3A_31 = arith.constant 0 : i32
    %dma_start3A_32 = arith.constant 0 : i32
    %dma_start3A_33 = tpu.memref_slice %arg3[%dma_start3A_31, %dma_start3A_32] : memref<1000000x64xf32, #tpu.memory_space<hbm>> -> memref<1000000x64xf32, #tpu.memory_space<hbm>>
    %dma_start3A_34 = tpu.memref_slice %arg7[%dma_start3A_23] : memref<2x!tpu.dma_semaphore, #tpu.memory_space<semaphore_mem>> -> memref<1x!tpu.dma_semaphore, #tpu.memory_space<semaphore_mem>>
    %dma_start3A_35 = tpu.memref_squeeze %dma_start3A_34 : memref<1x!tpu.dma_semaphore, #tpu.memory_space<semaphore_mem>> -> memref<!tpu.dma_semaphore, #tpu.memory_space<semaphore_mem>>
    tpu.enqueue_indirect_dma source(%dma_start3A_33 : memref<1000000x64xf32, #tpu.memory_space<hbm>>) target(%dma_start3A_27 : memref<128x64xf32, #tpu.memory_space<vmem>>) offsets(%dma_start3A_30 : memref<128xi32, #tpu.memory_space<vmem>>) semaphore(%dma_start3A_35 : memref<!tpu.dma_semaphore, #tpu.memory_space<semaphore_mem>>)
    %dma_start3A_36 = arith.constant 0 : i32
    %dma_start3A_37 = arith.constant 1 : i32
    %dma_start3A_38 = arith.constant 0 : i32
    %dma_start3A_39 = arith.constant 0 : i32
    %dma_start3A_40 = arith.constant 128 : i32
    %dma_start3A_41 = arith.constant 0 : i32
    %dma_start3A_42 = tpu.memref_slice %arg6[%dma_start3A_38, %dma_start3A_40, %dma_start3A_41] : memref<2x512x64xf32, #tpu.memory_space<vmem>> -> memref<1x128x64xf32, #tpu.memory_space<vmem>>
    %dma_start3A_43 = tpu.memref_squeeze %dma_start3A_42 : memref<1x128x64xf32, #tpu.memory_space<vmem>> -> memref<128x64xf32, #tpu.memory_space<vmem>>
    %dma_start3A_44 = arith.constant 0 : i32
    %dma_start3A_45 = tpu.memref_slice %arg5[%dma_start3A_36, %dma_start3A_37, %dma_start3A_44] : memref<2x4x128xi32, #tpu.memory_space<vmem>> -> memref<1x1x128xi32, #tpu.memory_space<vmem>>
    %dma_start3A_46 = tpu.memref_squeeze %dma_start3A_45 : memref<1x1x128xi32, #tpu.memory_space<vmem>> -> memref<128xi32, #tpu.memory_space<vmem>>
    %dma_start3A_47 = arith.constant 0 : i32
    %dma_start3A_48 = arith.constant 0 : i32
    %dma_start3A_49 = tpu.memref_slice %arg3[%dma_start3A_47, %dma_start3A_48] : memref<1000000x64xf32, #tpu.memory_space<hbm>> -> memref<1000000x64xf32, #tpu.memory_space<hbm>>
    %dma_start3A_50 = tpu.memref_slice %arg7[%dma_start3A_39] : memref<2x!tpu.dma_semaphore, #tpu.memory_space<semaphore_mem>> -> memref<1x!tpu.dma_semaphore, #tpu.memory_space<semaphore_mem>>
    %dma_start3A_51 = tpu.memref_squeeze %dma_start3A_50 : memref<1x!tpu.dma_semaphore, #tpu.memory_space<semaphore_mem>> -> memref<!tpu.dma_semaphore, #tpu.memory_space<semaphore_mem>>
    tpu.enqueue_indirect_dma source(%dma_start3A_49 : memref<1000000x64xf32, #tpu.memory_space<hbm>>) target(%dma_start3A_43 : memref<128x64xf32, #tpu.memory_space<vmem>>) offsets(%dma_start3A_46 : memref<128xi32, #tpu.memory_space<vmem>>) semaphore(%dma_start3A_51 : memref<!tpu.dma_semaphore, #tpu.memory_space<semaphore_mem>>)
    %dma_start3A_52 = arith.constant 0 : i32
    %dma_start3A_53 = arith.constant 2 : i32
    %dma_start3A_54 = arith.constant 0 : i32
    %dma_start3A_55 = arith.constant 0 : i32
    %dma_start3A_56 = arith.constant 256 : i32
    %dma_start3A_57 = arith.constant 0 : i32
    %dma_start3A_58 = tpu.memref_slice %arg6[%dma_start3A_54, %dma_start3A_56, %dma_start3A_57] : memref<2x512x64xf32, #tpu.memory_space<vmem>> -> memref<1x128x64xf32, #tpu.memory_space<vmem>>
    %dma_start3A_59 = tpu.memref_squeeze %dma_start3A_58 : memref<1x128x64xf32, #tpu.memory_space<vmem>> -> memref<128x64xf32, #tpu.memory_space<vmem>>
    %dma_start3A_60 = arith.constant 0 : i32
    %dma_start3A_61 = tpu.memref_slice %arg5[%dma_start3A_52, %dma_start3A_53, %dma_start3A_60] : memref<2x4x128xi32, #tpu.memory_space<vmem>> -> memref<1x1x128xi32, #tpu.memory_space<vmem>>
    %dma_start3A_62 = tpu.memref_squeeze %dma_start3A_61 : memref<1x1x128xi32, #tpu.memory_space<vmem>> -> memref<128xi32, #tpu.memory_space<vmem>>
    %dma_start3A_63 = arith.constant 0 : i32
    %dma_start3A_64 = arith.constant 0 : i32
    %dma_start3A_65 = tpu.memref_slice %arg3[%dma_start3A_63, %dma_start3A_64] : memref<1000000x64xf32, #tpu.memory_space<hbm>> -> memref<1000000x64xf32, #tpu.memory_space<hbm>>
    %dma_start3A_66 = tpu.memref_slice %arg7[%dma_start3A_55] : memref<2x!tpu.dma_semaphore, #tpu.memory_space<semaphore_mem>> -> memref<1x!tpu.dma_semaphore, #tpu.memory_space<semaphore_mem>>
    %dma_start3A_67 = tpu.memref_squeeze %dma_start3A_66 : memref<1x!tpu.dma_semaphore, #tpu.memory_space<semaphore_mem>> -> memref<!tpu.dma_semaphore, #tpu.memory_space<semaphore_mem>>
    tpu.enqueue_indirect_dma source(%dma_start3A_65 : memref<1000000x64xf32, #tpu.memory_space<hbm>>) target(%dma_start3A_59 : memref<128x64xf32, #tpu.memory_space<vmem>>) offsets(%dma_start3A_62 : memref<128xi32, #tpu.memory_space<vmem>>) semaphore(%dma_start3A_67 : memref<!tpu.dma_semaphore, #tpu.memory_space<semaphore_mem>>)
    %dma_start3A_68 = arith.constant 0 : i32
    %dma_start3A_69 = arith.constant 3 : i32
    %dma_start3A_70 = arith.constant 0 : i32
    %dma_start3A_71 = arith.constant 0 : i32
    %dma_start3A_72 = arith.constant 384 : i32
    %dma_start3A_73 = arith.constant 0 : i32
    %dma_start3A_74 = tpu.memref_slice %arg6[%dma_start3A_70, %dma_start3A_72, %dma_start3A_73] : memref<2x512x64xf32, #tpu.memory_space<vmem>> -> memref<1x128x64xf32, #tpu.memory_space<vmem>>
    %dma_start3A_75 = tpu.memref_squeeze %dma_start3A_74 : memref<1x128x64xf32, #tpu.memory_space<vmem>> -> memref<128x64xf32, #tpu.memory_space<vmem>>
    %dma_start3A_76 = arith.constant 0 : i32
    %dma_start3A_77 = tpu.memref_slice %arg5[%dma_start3A_68, %dma_start3A_69, %dma_start3A_76] : memref<2x4x128xi32, #tpu.memory_space<vmem>> -> memref<1x1x128xi32, #tpu.memory_space<vmem>>
    %dma_start3A_78 = tpu.memref_squeeze %dma_start3A_77 : memref<1x1x128xi32, #tpu.memory_space<vmem>> -> memref<128xi32, #tpu.memory_space<vmem>>
    %dma_start3A_79 = arith.constant 0 : i32
    %dma_start3A_80 = arith.constant 0 : i32
    %dma_start3A_81 = tpu.memref_slice %arg3[%dma_start3A_79, %dma_start3A_80] : memref<1000000x64xf32, #tpu.memory_space<hbm>> -> memref<1000000x64xf32, #tpu.memory_space<hbm>>
    %dma_start3A_82 = tpu.memref_slice %arg7[%dma_start3A_71] : memref<2x!tpu.dma_semaphore, #tpu.memory_space<semaphore_mem>> -> memref<1x!tpu.dma_semaphore, #tpu.memory_space<semaphore_mem>>
    %dma_start3A_83 = tpu.memref_squeeze %dma_start3A_82 : memref<1x!tpu.dma_semaphore, #tpu.memory_space<semaphore_mem>> -> memref<!tpu.dma_semaphore, #tpu.memory_space<semaphore_mem>>
    tpu.enqueue_indirect_dma source(%dma_start3A_81 : memref<1000000x64xf32, #tpu.memory_space<hbm>>) target(%dma_start3A_75 : memref<128x64xf32, #tpu.memory_space<vmem>>) offsets(%dma_start3A_78 : memref<128xi32, #tpu.memory_space<vmem>>) semaphore(%dma_start3A_83 : memref<!tpu.dma_semaphore, #tpu.memory_space<semaphore_mem>>)
    %scan3A = arith.constant 0 : i32
    %scan3A_84 = arith.constant 25 : i32
    %scan3A_85 = arith.addi %scan3A, %scan3A_84 : i32
    %scan3A_86 = arith.constant 1 : i32
    scf.for %scan3A_88 = %scan3A to %scan3A_85 step %scan3A_86  : i32 {
      %mul3A_89 = arith.constant 2 : i32
      %mul3A_90 = arith.muli %scan3A_88, %mul3A_89 : i32
      %add3A_91 = arith.constant 0 : i32
      %add3A_92 = arith.addi %add3A_91, %mul3A_90 : i32
      %add3A_93 = arith.constant 0 : i32
      %add3A_94 = arith.addi %add3A_92, %add3A_93 : i32
      %add3A_95 = arith.constant 1 : i32
      %add3A_96 = arith.addi %add3A_94, %add3A_95 : i32
      %lt3A = arith.constant 50 : i32
      %lt3A_97 = arith.cmpi slt, %add3A_96, %lt3A : i32
      %convert_element_type3A = arith.extui %lt3A_97 : i1 to i32
      %cond3A = arith.constant 0 : i32
      %cond3A_98 = arith.cmpi ne, %convert_element_type3A, %cond3A : i32
      scf.if %cond3A_98 {
        %add3A_151 = arith.constant 1 : i32
        %add3A_152 = arith.addi %add3A_94, %add3A_151 : i32
        %mul3A_153 = arith.constant 512 : i32
        %mul3A_154 = arith.muli %add3A_152, %mul3A_153 : i32
        %add3A_155 = arith.addi %mul3A_2, %mul3A_154 : i32
        %jit3A_156 = arith.constant 128 : i32
        %div3A_157 = arith.divsi %add3A_155, %jit3A_156 : i32
        %sign3A_158 = arith.constant 0 : i32
        %sign3A_159 = arith.cmpi sgt, %add3A_155, %sign3A_158 : i32
        %sign3A_160 = arith.extui %sign3A_159 : i1 to i32
        %sign3A_161 = arith.constant 0 : i32
        %sign3A_162 = arith.cmpi slt, %add3A_155, %sign3A_161 : i32
        %sign3A_163 = arith.extui %sign3A_162 : i1 to i32
        %sign3A_164 = arith.subi %sign3A_160, %sign3A_163 : i32
        %sign3A_165 = arith.constant 0 : i32
        %sign3A_166 = arith.cmpi sgt, %jit3A_156, %sign3A_165 : i32
        %sign3A_167 = arith.extui %sign3A_166 : i1 to i32
        %sign3A_168 = arith.constant 0 : i32
        %sign3A_169 = arith.cmpi slt, %jit3A_156, %sign3A_168 : i32
        %sign3A_170 = arith.extui %sign3A_169 : i1 to i32
        %sign3A_171 = arith.subi %sign3A_167, %sign3A_170 : i32
        %ne3A_172 = arith.cmpi ne, %sign3A_164, %sign3A_171 : i32
        %rem3A_173 = arith.remsi %add3A_155, %jit3A_156 : i32
        %ne3A_174 = arith.constant 0 : i32
        %ne3A_175 = arith.cmpi ne, %rem3A_173, %ne3A_174 : i32
        %and3A_176 = arith.andi %ne3A_172, %ne3A_175 : i1
        %sub3A_177 = arith.constant 1 : i32
        %sub3A_178 = arith.subi %div3A_157, %sub3A_177 : i32
        %select_n3A_179 = arith.select %and3A_176, %sub3A_178, %div3A_157 : i32
        %run_scoped3A_180 = arith.constant 1 : i32
        "tpu.region"() ({
          %run_scoped3A_245 = tpu.sem_alloc : memref<!tpu.dma_semaphore, #tpu.memory_space<semaphore_mem>>
          %dma_start3A_246 = arith.constant 0 : i32
          %dma_start3A_247 = arith.constant 0 : i32
          %dma_start3A_248 = tpu.memref_slice %arg5[%run_scoped3A_180, %dma_start3A_246, %dma_start3A_247] : memref<2x4x128xi32, #tpu.memory_space<vmem>> -> memref<1x4x128xi32, #tpu.memory_space<vmem>>
          %dma_start3A_249 = tpu.memref_squeeze %dma_start3A_248 : memref<1x4x128xi32, #tpu.memory_space<vmem>> -> memref<4x128xi32, #tpu.memory_space<vmem>>
          %dma_start3A_250 = arith.constant 0 : i32
          %dma_start3A_251 = tpu.memref_slice %arg2[%select_n3A_179, %dma_start3A_250] : memref<6400x128xi32, #tpu.memory_space<hbm>> -> memref<4x128xi32, #tpu.memory_space<hbm>>
          %dma_start3A_252 = arith.constant 0 : i32
          %dma_start3A_253 = arith.constant 0 : i32
          %dma_start3A_254 = tpu.memref_slice %arg5[%run_scoped3A_180, %dma_start3A_252, %dma_start3A_253] : memref<2x4x128xi32, #tpu.memory_space<vmem>> -> memref<1x4x128xi32, #tpu.memory_space<vmem>>
          %dma_start3A_255 = tpu.memref_squeeze %dma_start3A_254 : memref<1x4x128xi32, #tpu.memory_space<vmem>> -> memref<4x128xi32, #tpu.memory_space<vmem>>
          %dma_start3A_256 = arith.constant 0 : i32
          %dma_start3A_257 = tpu.memref_slice %arg2[%select_n3A_179, %dma_start3A_256] : memref<6400x128xi32, #tpu.memory_space<hbm>> -> memref<4x128xi32, #tpu.memory_space<hbm>>
          tpu.enqueue_dma source(%dma_start3A_257 : memref<4x128xi32, #tpu.memory_space<hbm>>) target(%dma_start3A_255 : memref<4x128xi32, #tpu.memory_space<vmem>>) target_semaphore(%run_scoped3A_245 : memref<!tpu.dma_semaphore, #tpu.memory_space<semaphore_mem>>)
          %dma_wait3A_258 = arith.constant 0 : i32
          %dma_wait3A_259 = arith.constant 0 : i32
          %dma_wait3A_260 = tpu.memref_slice %arg5[%run_scoped3A_180, %dma_wait3A_258, %dma_wait3A_259] : memref<2x4x128xi32, #tpu.memory_space<vmem>> -> memref<1x4x128xi32, #tpu.memory_space<vmem>>
          %dma_wait3A_261 = tpu.memref_squeeze %dma_wait3A_260 : memref<1x4x128xi32, #tpu.memory_space<vmem>> -> memref<4x128xi32, #tpu.memory_space<vmem>>
          %dma_wait3A_262 = arith.constant 0 : i32
          %dma_wait3A_263 = tpu.memref_slice %arg2[%select_n3A_179, %dma_wait3A_262] : memref<6400x128xi32, #tpu.memory_space<hbm>> -> memref<4x128xi32, #tpu.memory_space<hbm>>
          %dma_wait3A_264 = arith.constant 0 : i32
          %dma_wait3A_265 = arith.constant 0 : i32
          %dma_wait3A_266 = tpu.memref_slice %arg5[%run_scoped3A_180, %dma_wait3A_264, %dma_wait3A_265] : memref<2x4x128xi32, #tpu.memory_space<vmem>> -> memref<1x4x128xi32, #tpu.memory_space<vmem>>
          %dma_wait3A_267 = tpu.memref_squeeze %dma_wait3A_266 : memref<1x4x128xi32, #tpu.memory_space<vmem>> -> memref<4x128xi32, #tpu.memory_space<vmem>>
          %dma_wait3A_268 = arith.constant 0 : i32
          %dma_wait3A_269 = tpu.memref_slice %arg2[%select_n3A_179, %dma_wait3A_268] : memref<6400x128xi32, #tpu.memory_space<hbm>> -> memref<4x128xi32, #tpu.memory_space<hbm>>
          tpu.wait_dma2 semaphore(%run_scoped3A_245 : memref<!tpu.dma_semaphore, #tpu.memory_space<semaphore_mem>>) src(%dma_wait3A_269 : memref<4x128xi32, #tpu.memory_space<hbm>>) dst(%dma_wait3A_267 : memref<4x128xi32, #tpu.memory_space<vmem>>)
          tpu.yield
        }) : () -> ()
        %dma_start3A_181 = arith.constant 1 : i32
        %dma_start3A_182 = arith.constant 0 : i32
        %dma_start3A_183 = arith.constant 1 : i32
        %dma_start3A_184 = arith.constant 1 : i32
        %dma_start3A_185 = arith.constant 0 : i32
        %dma_start3A_186 = arith.constant 0 : i32
        %dma_start3A_187 = tpu.memref_slice %arg6[%dma_start3A_183, %dma_start3A_185, %dma_start3A_186] : memref<2x512x64xf32, #tpu.memory_space<vmem>> -> memref<1x128x64xf32, #tpu.memory_space<vmem>>
        %dma_start3A_188 = tpu.memref_squeeze %dma_start3A_187 : memref<1x128x64xf32, #tpu.memory_space<vmem>> -> memref<128x64xf32, #tpu.memory_space<vmem>>
        %dma_start3A_189 = arith.constant 0 : i32
        %dma_start3A_190 = tpu.memref_slice %arg5[%dma_start3A_181, %dma_start3A_182, %dma_start3A_189] : memref<2x4x128xi32, #tpu.memory_space<vmem>> -> memref<1x1x128xi32, #tpu.memory_space<vmem>>
        %dma_start3A_191 = tpu.memref_squeeze %dma_start3A_190 : memref<1x1x128xi32, #tpu.memory_space<vmem>> -> memref<128xi32, #tpu.memory_space<vmem>>
        %dma_start3A_192 = arith.constant 0 : i32
        %dma_start3A_193 = arith.constant 0 : i32
        %dma_start3A_194 = tpu.memref_slice %arg3[%dma_start3A_192, %dma_start3A_193] : memref<1000000x64xf32, #tpu.memory_space<hbm>> -> memref<1000000x64xf32, #tpu.memory_space<hbm>>
        %dma_start3A_195 = tpu.memref_slice %arg7[%dma_start3A_184] : memref<2x!tpu.dma_semaphore, #tpu.memory_space<semaphore_mem>> -> memref<1x!tpu.dma_semaphore, #tpu.memory_space<semaphore_mem>>
        %dma_start3A_196 = tpu.memref_squeeze %dma_start3A_195 : memref<1x!tpu.dma_semaphore, #tpu.memory_space<semaphore_mem>> -> memref<!tpu.dma_semaphore, #tpu.memory_space<semaphore_mem>>
        tpu.enqueue_indirect_dma source(%dma_start3A_194 : memref<1000000x64xf32, #tpu.memory_space<hbm>>) target(%dma_start3A_188 : memref<128x64xf32, #tpu.memory_space<vmem>>) offsets(%dma_start3A_191 : memref<128xi32, #tpu.memory_space<vmem>>) semaphore(%dma_start3A_196 : memref<!tpu.dma_semaphore, #tpu.memory_space<semaphore_mem>>)
        %dma_start3A_197 = arith.constant 1 : i32
        %dma_start3A_198 = arith.constant 1 : i32
        %dma_start3A_199 = arith.constant 1 : i32
        %dma_start3A_200 = arith.constant 1 : i32
        %dma_start3A_201 = arith.constant 128 : i32
        %dma_start3A_202 = arith.constant 0 : i32
        %dma_start3A_203 = tpu.memref_slice %arg6[%dma_start3A_199, %dma_start3A_201, %dma_start3A_202] : memref<2x512x64xf32, #tpu.memory_space<vmem>> -> memref<1x128x64xf32, #tpu.memory_space<vmem>>
        %dma_start3A_204 = tpu.memref_squeeze %dma_start3A_203 : memref<1x128x64xf32, #tpu.memory_space<vmem>> -> memref<128x64xf32, #tpu.memory_space<vmem>>
        %dma_start3A_205 = arith.constant 0 : i32
        %dma_start3A_206 = tpu.memref_slice %arg5[%dma_start3A_197, %dma_start3A_198, %dma_start3A_205] : memref<2x4x128xi32, #tpu.memory_space<vmem>> -> memref<1x1x128xi32, #tpu.memory_space<vmem>>
        %dma_start3A_207 = tpu.memref_squeeze %dma_start3A_206 : memref<1x1x128xi32, #tpu.memory_space<vmem>> -> memref<128xi32, #tpu.memory_space<vmem>>
        %dma_start3A_208 = arith.constant 0 : i32
        %dma_start3A_209 = arith.constant 0 : i32
        %dma_start3A_210 = tpu.memref_slice %arg3[%dma_start3A_208, %dma_start3A_209] : memref<1000000x64xf32, #tpu.memory_space<hbm>> -> memref<1000000x64xf32, #tpu.memory_space<hbm>>
        %dma_start3A_211 = tpu.memref_slice %arg7[%dma_start3A_200] : memref<2x!tpu.dma_semaphore, #tpu.memory_space<semaphore_mem>> -> memref<1x!tpu.dma_semaphore, #tpu.memory_space<semaphore_mem>>
        %dma_start3A_212 = tpu.memref_squeeze %dma_start3A_211 : memref<1x!tpu.dma_semaphore, #tpu.memory_space<semaphore_mem>> -> memref<!tpu.dma_semaphore, #tpu.memory_space<semaphore_mem>>
        tpu.enqueue_indirect_dma source(%dma_start3A_210 : memref<1000000x64xf32, #tpu.memory_space<hbm>>) target(%dma_start3A_204 : memref<128x64xf32, #tpu.memory_space<vmem>>) offsets(%dma_start3A_207 : memref<128xi32, #tpu.memory_space<vmem>>) semaphore(%dma_start3A_212 : memref<!tpu.dma_semaphore, #tpu.memory_space<semaphore_mem>>)
        %dma_start3A_213 = arith.constant 1 : i32
        %dma_start3A_214 = arith.constant 2 : i32
        %dma_start3A_215 = arith.constant 1 : i32
        %dma_start3A_216 = arith.constant 1 : i32
        %dma_start3A_217 = arith.constant 256 : i32
        %dma_start3A_218 = arith.constant 0 : i32
        %dma_start3A_219 = tpu.memref_slice %arg6[%dma_start3A_215, %dma_start3A_217, %dma_start3A_218] : memref<2x512x64xf32, #tpu.memory_space<vmem>> -> memref<1x128x64xf32, #tpu.memory_space<vmem>>
        %dma_start3A_220 = tpu.memref_squeeze %dma_start3A_219 : memref<1x128x64xf32, #tpu.memory_space<vmem>> -> memref<128x64xf32, #tpu.memory_space<vmem>>
        %dma_start3A_221 = arith.constant 0 : i32
        %dma_start3A_222 = tpu.memref_slice %arg5[%dma_start3A_213, %dma_start3A_214, %dma_start3A_221] : memref<2x4x128xi32, #tpu.memory_space<vmem>> -> memref<1x1x128xi32, #tpu.memory_space<vmem>>
        %dma_start3A_223 = tpu.memref_squeeze %dma_start3A_222 : memref<1x1x128xi32, #tpu.memory_space<vmem>> -> memref<128xi32, #tpu.memory_space<vmem>>
        %dma_start3A_224 = arith.constant 0 : i32
        %dma_start3A_225 = arith.constant 0 : i32
        %dma_start3A_226 = tpu.memref_slice %arg3[%dma_start3A_224, %dma_start3A_225] : memref<1000000x64xf32, #tpu.memory_space<hbm>> -> memref<1000000x64xf32, #tpu.memory_space<hbm>>
        %dma_start3A_227 = tpu.memref_slice %arg7[%dma_start3A_216] : memref<2x!tpu.dma_semaphore, #tpu.memory_space<semaphore_mem>> -> memref<1x!tpu.dma_semaphore, #tpu.memory_space<semaphore_mem>>
        %dma_start3A_228 = tpu.memref_squeeze %dma_start3A_227 : memref<1x!tpu.dma_semaphore, #tpu.memory_space<semaphore_mem>> -> memref<!tpu.dma_semaphore, #tpu.memory_space<semaphore_mem>>
        tpu.enqueue_indirect_dma source(%dma_start3A_226 : memref<1000000x64xf32, #tpu.memory_space<hbm>>) target(%dma_start3A_220 : memref<128x64xf32, #tpu.memory_space<vmem>>) offsets(%dma_start3A_223 : memref<128xi32, #tpu.memory_space<vmem>>) semaphore(%dma_start3A_228 : memref<!tpu.dma_semaphore, #tpu.memory_space<semaphore_mem>>)
        %dma_start3A_229 = arith.constant 1 : i32
        %dma_start3A_230 = arith.constant 3 : i32
        %dma_start3A_231 = arith.constant 1 : i32
        %dma_start3A_232 = arith.constant 1 : i32
        %dma_start3A_233 = arith.constant 384 : i32
        %dma_start3A_234 = arith.constant 0 : i32
        %dma_start3A_235 = tpu.memref_slice %arg6[%dma_start3A_231, %dma_start3A_233, %dma_start3A_234] : memref<2x512x64xf32, #tpu.memory_space<vmem>> -> memref<1x128x64xf32, #tpu.memory_space<vmem>>
        %dma_start3A_236 = tpu.memref_squeeze %dma_start3A_235 : memref<1x128x64xf32, #tpu.memory_space<vmem>> -> memref<128x64xf32, #tpu.memory_space<vmem>>
        %dma_start3A_237 = arith.constant 0 : i32
        %dma_start3A_238 = tpu.memref_slice %arg5[%dma_start3A_229, %dma_start3A_230, %dma_start3A_237] : memref<2x4x128xi32, #tpu.memory_space<vmem>> -> memref<1x1x128xi32, #tpu.memory_space<vmem>>
        %dma_start3A_239 = tpu.memref_squeeze %dma_start3A_238 : memref<1x1x128xi32, #tpu.memory_space<vmem>> -> memref<128xi32, #tpu.memory_space<vmem>>
        %dma_start3A_240 = arith.constant 0 : i32
        %dma_start3A_241 = arith.constant 0 : i32
        %dma_start3A_242 = tpu.memref_slice %arg3[%dma_start3A_240, %dma_start3A_241] : memref<1000000x64xf32, #tpu.memory_space<hbm>> -> memref<1000000x64xf32, #tpu.memory_space<hbm>>
        %dma_start3A_243 = tpu.memref_slice %arg7[%dma_start3A_232] : memref<2x!tpu.dma_semaphore, #tpu.memory_space<semaphore_mem>> -> memref<1x!tpu.dma_semaphore, #tpu.memory_space<semaphore_mem>>
        %dma_start3A_244 = tpu.memref_squeeze %dma_start3A_243 : memref<1x!tpu.dma_semaphore, #tpu.memory_space<semaphore_mem>> -> memref<!tpu.dma_semaphore, #tpu.memory_space<semaphore_mem>>
        tpu.enqueue_indirect_dma source(%dma_start3A_242 : memref<1000000x64xf32, #tpu.memory_space<hbm>>) target(%dma_start3A_236 : memref<128x64xf32, #tpu.memory_space<vmem>>) offsets(%dma_start3A_239 : memref<128xi32, #tpu.memory_space<vmem>>) semaphore(%dma_start3A_244 : memref<!tpu.dma_semaphore, #tpu.memory_space<semaphore_mem>>)
      } else {
      }
      %dma_wait3A = arith.constant 0 : i32
      %dma_wait3A_99 = arith.constant 0 : i32
      %dma_wait3A_100 = arith.constant 0 : i32
      %dma_wait3A_101 = arith.constant 0 : i32
      %dma_wait3A_102 = tpu.memref_slice %arg6[%dma_wait3A, %dma_wait3A_100, %dma_wait3A_101] : memref<2x512x64xf32, #tpu.memory_space<vmem>> -> memref<1x512x64xf32, #tpu.memory_space<vmem>>
      %dma_wait3A_103 = tpu.memref_squeeze %dma_wait3A_102 : memref<1x512x64xf32, #tpu.memory_space<vmem>> -> memref<512x64xf32, #tpu.memory_space<vmem>>
      %dma_wait3A_104 = arith.constant 0 : i32
      %dma_wait3A_105 = arith.constant 0 : i32
      %dma_wait3A_106 = tpu.memref_slice %arg3[%dma_wait3A_104, %dma_wait3A_105] : memref<1000000x64xf32, #tpu.memory_space<hbm>> -> memref<512x64xf32, #tpu.memory_space<hbm>>
      %dma_wait3A_107 = tpu.memref_slice %arg7[%dma_wait3A_99] : memref<2x!tpu.dma_semaphore, #tpu.memory_space<semaphore_mem>> -> memref<1x!tpu.dma_semaphore, #tpu.memory_space<semaphore_mem>>
      %dma_wait3A_108 = tpu.memref_squeeze %dma_wait3A_107 : memref<1x!tpu.dma_semaphore, #tpu.memory_space<semaphore_mem>> -> memref<!tpu.dma_semaphore, #tpu.memory_space<semaphore_mem>>
      %dma_wait3A_109 = arith.constant 0 : i32
      %dma_wait3A_110 = arith.constant 0 : i32
      %dma_wait3A_111 = tpu.memref_slice %arg6[%dma_wait3A, %dma_wait3A_109, %dma_wait3A_110] : memref<2x512x64xf32, #tpu.memory_space<vmem>> -> memref<1x512x64xf32, #tpu.memory_space<vmem>>
      %dma_wait3A_112 = tpu.memref_squeeze %dma_wait3A_111 : memref<1x512x64xf32, #tpu.memory_space<vmem>> -> memref<512x64xf32, #tpu.memory_space<vmem>>
      %dma_wait3A_113 = arith.constant 0 : i32
      %dma_wait3A_114 = arith.constant 0 : i32
      %dma_wait3A_115 = tpu.memref_slice %arg3[%dma_wait3A_113, %dma_wait3A_114] : memref<1000000x64xf32, #tpu.memory_space<hbm>> -> memref<512x64xf32, #tpu.memory_space<hbm>>
      tpu.wait_dma2 semaphore(%dma_wait3A_108 : memref<!tpu.dma_semaphore, #tpu.memory_space<semaphore_mem>>) src(%dma_wait3A_115 : memref<512x64xf32, #tpu.memory_space<hbm>>) dst(%dma_wait3A_112 : memref<512x64xf32, #tpu.memory_space<vmem>>)
      %mul3A_116 = arith.constant 512 : i32
      %mul3A_117 = arith.muli %add3A_94, %mul3A_116 : i32
      %add3A_118 = arith.addi %mul3A_2, %mul3A_117 : i32
      %run_scoped3A_119 = arith.constant 0 : i32
      "tpu.region"() ({
        %run_scoped3A_151 = tpu.sem_alloc : memref<!tpu.dma_semaphore, #tpu.memory_space<semaphore_mem>>
        %dma_start3A_152 = arith.constant 0 : i32
        %dma_start3A_153 = arith.constant 0 : i32
        %dma_start3A_154 = tpu.memref_slice %arg6[%run_scoped3A_119, %dma_start3A_152, %dma_start3A_153] : memref<2x512x64xf32, #tpu.memory_space<vmem>> -> memref<1x512x64xf32, #tpu.memory_space<vmem>>
        %dma_start3A_155 = tpu.memref_squeeze %dma_start3A_154 : memref<1x512x64xf32, #tpu.memory_space<vmem>> -> memref<512x64xf32, #tpu.memory_space<vmem>>
        %dma_start3A_156 = arith.constant 0 : i32
        %dma_start3A_157 = tpu.memref_slice %arg4[%add3A_118, %dma_start3A_156] : memref<819200x64xf32, #tpu.memory_space<hbm>> -> memref<512x64xf32, #tpu.memory_space<hbm>>
        %dma_start3A_158 = arith.constant 0 : i32
        %dma_start3A_159 = tpu.memref_slice %arg4[%add3A_118, %dma_start3A_158] : memref<819200x64xf32, #tpu.memory_space<hbm>> -> memref<512x64xf32, #tpu.memory_space<hbm>>
        %dma_start3A_160 = arith.constant 0 : i32
        %dma_start3A_161 = arith.constant 0 : i32
        %dma_start3A_162 = tpu.memref_slice %arg6[%run_scoped3A_119, %dma_start3A_160, %dma_start3A_161] : memref<2x512x64xf32, #tpu.memory_space<vmem>> -> memref<1x512x64xf32, #tpu.memory_space<vmem>>
        %dma_start3A_163 = tpu.memref_squeeze %dma_start3A_162 : memref<1x512x64xf32, #tpu.memory_space<vmem>> -> memref<512x64xf32, #tpu.memory_space<vmem>>
        tpu.enqueue_dma source(%dma_start3A_163 : memref<512x64xf32, #tpu.memory_space<vmem>>) target(%dma_start3A_159 : memref<512x64xf32, #tpu.memory_space<hbm>>) target_semaphore(%run_scoped3A_151 : memref<!tpu.dma_semaphore, #tpu.memory_space<semaphore_mem>>)
        %dma_wait3A_164 = arith.constant 0 : i32
        %dma_wait3A_165 = arith.constant 0 : i32
        %dma_wait3A_166 = tpu.memref_slice %arg6[%run_scoped3A_119, %dma_wait3A_164, %dma_wait3A_165] : memref<2x512x64xf32, #tpu.memory_space<vmem>> -> memref<1x512x64xf32, #tpu.memory_space<vmem>>
        %dma_wait3A_167 = tpu.memref_squeeze %dma_wait3A_166 : memref<1x512x64xf32, #tpu.memory_space<vmem>> -> memref<512x64xf32, #tpu.memory_space<vmem>>
        %dma_wait3A_168 = arith.constant 0 : i32
        %dma_wait3A_169 = tpu.memref_slice %arg4[%add3A_118, %dma_wait3A_168] : memref<819200x64xf32, #tpu.memory_space<hbm>> -> memref<512x64xf32, #tpu.memory_space<hbm>>
        %dma_wait3A_170 = arith.constant 0 : i32
        %dma_wait3A_171 = tpu.memref_slice %arg4[%add3A_118, %dma_wait3A_170] : memref<819200x64xf32, #tpu.memory_space<hbm>> -> memref<512x64xf32, #tpu.memory_space<hbm>>
        %dma_wait3A_172 = arith.constant 0 : i32
        %dma_wait3A_173 = arith.constant 0 : i32
        %dma_wait3A_174 = tpu.memref_slice %arg6[%run_scoped3A_119, %dma_wait3A_172, %dma_wait3A_173] : memref<2x512x64xf32, #tpu.memory_space<vmem>> -> memref<1x512x64xf32, #tpu.memory_space<vmem>>
        %dma_wait3A_175 = tpu.memref_squeeze %dma_wait3A_174 : memref<1x512x64xf32, #tpu.memory_space<vmem>> -> memref<512x64xf32, #tpu.memory_space<vmem>>
        tpu.wait_dma2 semaphore(%run_scoped3A_151 : memref<!tpu.dma_semaphore, #tpu.memory_space<semaphore_mem>>) src(%dma_wait3A_175 : memref<512x64xf32, #tpu.memory_space<vmem>>) dst(%dma_wait3A_171 : memref<512x64xf32, #tpu.memory_space<hbm>>)
        tpu.yield
      }) : () -> ()
      %add3A_120 = arith.constant 1 : i32
      %add3A_121 = arith.addi %add3A_92, %add3A_120 : i32
      %add3A_122 = arith.constant 1 : i32
      %add3A_123 = arith.addi %add3A_121, %add3A_122 : i32
      %lt3A_124 = arith.constant 50 : i32
      %lt3A_125 = arith.cmpi slt, %add3A_123, %lt3A_124 : i32
      %convert_element_type3A_126 = arith.extui %lt3A_125 : i1 to i32
      %cond3A_127 = arith.constant 0 : i32
      %cond3A_128 = arith.cmpi ne, %convert_element_type3A_126, %cond3A_127 : i32
      scf.if %cond3A_128 {
        %add3A_151 = arith.constant 1 : i32
        %add3A_152 = arith.addi %add3A_121, %add3A_151 : i32
        %mul3A_153 = arith.constant 512 : i32
        %mul3A_154 = arith.muli %add3A_152, %mul3A_153 : i32
        %add3A_155 = arith.addi %mul3A_2, %mul3A_154 : i32
        %jit3A_156 = arith.constant 128 : i32
        %div3A_157 = arith.divsi %add3A_155, %jit3A_156 : i32
        %sign3A_158 = arith.constant 0 : i32
        %sign3A_159 = arith.cmpi sgt, %add3A_155, %sign3A_158 : i32
        %sign3A_160 = arith.extui %sign3A_159 : i1 to i32
        %sign3A_161 = arith.constant 0 : i32
        %sign3A_162 = arith.cmpi slt, %add3A_155, %sign3A_161 : i32
        %sign3A_163 = arith.extui %sign3A_162 : i1 to i32
        %sign3A_164 = arith.subi %sign3A_160, %sign3A_163 : i32
        %sign3A_165 = arith.constant 0 : i32
        %sign3A_166 = arith.cmpi sgt, %jit3A_156, %sign3A_165 : i32
        %sign3A_167 = arith.extui %sign3A_166 : i1 to i32
        %sign3A_168 = arith.constant 0 : i32
        %sign3A_169 = arith.cmpi slt, %jit3A_156, %sign3A_168 : i32
        %sign3A_170 = arith.extui %sign3A_169 : i1 to i32
        %sign3A_171 = arith.subi %sign3A_167, %sign3A_170 : i32
        %ne3A_172 = arith.cmpi ne, %sign3A_164, %sign3A_171 : i32
        %rem3A_173 = arith.remsi %add3A_155, %jit3A_156 : i32
        %ne3A_174 = arith.constant 0 : i32
        %ne3A_175 = arith.cmpi ne, %rem3A_173, %ne3A_174 : i32
        %and3A_176 = arith.andi %ne3A_172, %ne3A_175 : i1
        %sub3A_177 = arith.constant 1 : i32
        %sub3A_178 = arith.subi %div3A_157, %sub3A_177 : i32
        %select_n3A_179 = arith.select %and3A_176, %sub3A_178, %div3A_157 : i32
        %run_scoped3A_180 = arith.constant 0 : i32
        "tpu.region"() ({
          %run_scoped3A_245 = tpu.sem_alloc : memref<!tpu.dma_semaphore, #tpu.memory_space<semaphore_mem>>
          %dma_start3A_246 = arith.constant 0 : i32
          %dma_start3A_247 = arith.constant 0 : i32
          %dma_start3A_248 = tpu.memref_slice %arg5[%run_scoped3A_180, %dma_start3A_246, %dma_start3A_247] : memref<2x4x128xi32, #tpu.memory_space<vmem>> -> memref<1x4x128xi32, #tpu.memory_space<vmem>>
          %dma_start3A_249 = tpu.memref_squeeze %dma_start3A_248 : memref<1x4x128xi32, #tpu.memory_space<vmem>> -> memref<4x128xi32, #tpu.memory_space<vmem>>
          %dma_start3A_250 = arith.constant 0 : i32
          %dma_start3A_251 = tpu.memref_slice %arg2[%select_n3A_179, %dma_start3A_250] : memref<6400x128xi32, #tpu.memory_space<hbm>> -> memref<4x128xi32, #tpu.memory_space<hbm>>
          %dma_start3A_252 = arith.constant 0 : i32
          %dma_start3A_253 = arith.constant 0 : i32
          %dma_start3A_254 = tpu.memref_slice %arg5[%run_scoped3A_180, %dma_start3A_252, %dma_start3A_253] : memref<2x4x128xi32, #tpu.memory_space<vmem>> -> memref<1x4x128xi32, #tpu.memory_space<vmem>>
          %dma_start3A_255 = tpu.memref_squeeze %dma_start3A_254 : memref<1x4x128xi32, #tpu.memory_space<vmem>> -> memref<4x128xi32, #tpu.memory_space<vmem>>
          %dma_start3A_256 = arith.constant 0 : i32
          %dma_start3A_257 = tpu.memref_slice %arg2[%select_n3A_179, %dma_start3A_256] : memref<6400x128xi32, #tpu.memory_space<hbm>> -> memref<4x128xi32, #tpu.memory_space<hbm>>
          tpu.enqueue_dma source(%dma_start3A_257 : memref<4x128xi32, #tpu.memory_space<hbm>>) target(%dma_start3A_255 : memref<4x128xi32, #tpu.memory_space<vmem>>) target_semaphore(%run_scoped3A_245 : memref<!tpu.dma_semaphore, #tpu.memory_space<semaphore_mem>>)
          %dma_wait3A_258 = arith.constant 0 : i32
          %dma_wait3A_259 = arith.constant 0 : i32
          %dma_wait3A_260 = tpu.memref_slice %arg5[%run_scoped3A_180, %dma_wait3A_258, %dma_wait3A_259] : memref<2x4x128xi32, #tpu.memory_space<vmem>> -> memref<1x4x128xi32, #tpu.memory_space<vmem>>
          %dma_wait3A_261 = tpu.memref_squeeze %dma_wait3A_260 : memref<1x4x128xi32, #tpu.memory_space<vmem>> -> memref<4x128xi32, #tpu.memory_space<vmem>>
          %dma_wait3A_262 = arith.constant 0 : i32
          %dma_wait3A_263 = tpu.memref_slice %arg2[%select_n3A_179, %dma_wait3A_262] : memref<6400x128xi32, #tpu.memory_space<hbm>> -> memref<4x128xi32, #tpu.memory_space<hbm>>
          %dma_wait3A_264 = arith.constant 0 : i32
          %dma_wait3A_265 = arith.constant 0 : i32
          %dma_wait3A_266 = tpu.memref_slice %arg5[%run_scoped3A_180, %dma_wait3A_264, %dma_wait3A_265] : memref<2x4x128xi32, #tpu.memory_space<vmem>> -> memref<1x4x128xi32, #tpu.memory_space<vmem>>
          %dma_wait3A_267 = tpu.memref_squeeze %dma_wait3A_266 : memref<1x4x128xi32, #tpu.memory_space<vmem>> -> memref<4x128xi32, #tpu.memory_space<vmem>>
          %dma_wait3A_268 = arith.constant 0 : i32
          %dma_wait3A_269 = tpu.memref_slice %arg2[%select_n3A_179, %dma_wait3A_268] : memref<6400x128xi32, #tpu.memory_space<hbm>> -> memref<4x128xi32, #tpu.memory_space<hbm>>
          tpu.wait_dma2 semaphore(%run_scoped3A_245 : memref<!tpu.dma_semaphore, #tpu.memory_space<semaphore_mem>>) src(%dma_wait3A_269 : memref<4x128xi32, #tpu.memory_space<hbm>>) dst(%dma_wait3A_267 : memref<4x128xi32, #tpu.memory_space<vmem>>)
          tpu.yield
        }) : () -> ()
        %dma_start3A_181 = arith.constant 0 : i32
        %dma_start3A_182 = arith.constant 0 : i32
        %dma_start3A_183 = arith.constant 0 : i32
        %dma_start3A_184 = arith.constant 0 : i32
        %dma_start3A_185 = arith.constant 0 : i32
        %dma_start3A_186 = arith.constant 0 : i32
        %dma_start3A_187 = tpu.memref_slice %arg6[%dma_start3A_183, %dma_start3A_185, %dma_start3A_186] : memref<2x512x64xf32, #tpu.memory_space<vmem>> -> memref<1x128x64xf32, #tpu.memory_space<vmem>>
        %dma_start3A_188 = tpu.memref_squeeze %dma_start3A_187 : memref<1x128x64xf32, #tpu.memory_space<vmem>> -> memref<128x64xf32, #tpu.memory_space<vmem>>
        %dma_start3A_189 = arith.constant 0 : i32
        %dma_start3A_190 = tpu.memref_slice %arg5[%dma_start3A_181, %dma_start3A_182, %dma_start3A_189] : memref<2x4x128xi32, #tpu.memory_space<vmem>> -> memref<1x1x128xi32, #tpu.memory_space<vmem>>
        %dma_start3A_191 = tpu.memref_squeeze %dma_start3A_190 : memref<1x1x128xi32, #tpu.memory_space<vmem>> -> memref<128xi32, #tpu.memory_space<vmem>>
        %dma_start3A_192 = arith.constant 0 : i32
        %dma_start3A_193 = arith.constant 0 : i32
        %dma_start3A_194 = tpu.memref_slice %arg3[%dma_start3A_192, %dma_start3A_193] : memref<1000000x64xf32, #tpu.memory_space<hbm>> -> memref<1000000x64xf32, #tpu.memory_space<hbm>>
        %dma_start3A_195 = tpu.memref_slice %arg7[%dma_start3A_184] : memref<2x!tpu.dma_semaphore, #tpu.memory_space<semaphore_mem>> -> memref<1x!tpu.dma_semaphore, #tpu.memory_space<semaphore_mem>>
        %dma_start3A_196 = tpu.memref_squeeze %dma_start3A_195 : memref<1x!tpu.dma_semaphore, #tpu.memory_space<semaphore_mem>> -> memref<!tpu.dma_semaphore, #tpu.memory_space<semaphore_mem>>
        tpu.enqueue_indirect_dma source(%dma_start3A_194 : memref<1000000x64xf32, #tpu.memory_space<hbm>>) target(%dma_start3A_188 : memref<128x64xf32, #tpu.memory_space<vmem>>) offsets(%dma_start3A_191 : memref<128xi32, #tpu.memory_space<vmem>>) semaphore(%dma_start3A_196 : memref<!tpu.dma_semaphore, #tpu.memory_space<semaphore_mem>>)
        %dma_start3A_197 = arith.constant 0 : i32
        %dma_start3A_198 = arith.constant 1 : i32
        %dma_start3A_199 = arith.constant 0 : i32
        %dma_start3A_200 = arith.constant 0 : i32
        %dma_start3A_201 = arith.constant 128 : i32
        %dma_start3A_202 = arith.constant 0 : i32
        %dma_start3A_203 = tpu.memref_slice %arg6[%dma_start3A_199, %dma_start3A_201, %dma_start3A_202] : memref<2x512x64xf32, #tpu.memory_space<vmem>> -> memref<1x128x64xf32, #tpu.memory_space<vmem>>
        %dma_start3A_204 = tpu.memref_squeeze %dma_start3A_203 : memref<1x128x64xf32, #tpu.memory_space<vmem>> -> memref<128x64xf32, #tpu.memory_space<vmem>>
        %dma_start3A_205 = arith.constant 0 : i32
        %dma_start3A_206 = tpu.memref_slice %arg5[%dma_start3A_197, %dma_start3A_198, %dma_start3A_205] : memref<2x4x128xi32, #tpu.memory_space<vmem>> -> memref<1x1x128xi32, #tpu.memory_space<vmem>>
        %dma_start3A_207 = tpu.memref_squeeze %dma_start3A_206 : memref<1x1x128xi32, #tpu.memory_space<vmem>> -> memref<128xi32, #tpu.memory_space<vmem>>
        %dma_start3A_208 = arith.constant 0 : i32
        %dma_start3A_209 = arith.constant 0 : i32
        %dma_start3A_210 = tpu.memref_slice %arg3[%dma_start3A_208, %dma_start3A_209] : memref<1000000x64xf32, #tpu.memory_space<hbm>> -> memref<1000000x64xf32, #tpu.memory_space<hbm>>
        %dma_start3A_211 = tpu.memref_slice %arg7[%dma_start3A_200] : memref<2x!tpu.dma_semaphore, #tpu.memory_space<semaphore_mem>> -> memref<1x!tpu.dma_semaphore, #tpu.memory_space<semaphore_mem>>
        %dma_start3A_212 = tpu.memref_squeeze %dma_start3A_211 : memref<1x!tpu.dma_semaphore, #tpu.memory_space<semaphore_mem>> -> memref<!tpu.dma_semaphore, #tpu.memory_space<semaphore_mem>>
        tpu.enqueue_indirect_dma source(%dma_start3A_210 : memref<1000000x64xf32, #tpu.memory_space<hbm>>) target(%dma_start3A_204 : memref<128x64xf32, #tpu.memory_space<vmem>>) offsets(%dma_start3A_207 : memref<128xi32, #tpu.memory_space<vmem>>) semaphore(%dma_start3A_212 : memref<!tpu.dma_semaphore, #tpu.memory_space<semaphore_mem>>)
        %dma_start3A_213 = arith.constant 0 : i32
        %dma_start3A_214 = arith.constant 2 : i32
        %dma_start3A_215 = arith.constant 0 : i32
        %dma_start3A_216 = arith.constant 0 : i32
        %dma_start3A_217 = arith.constant 256 : i32
        %dma_start3A_218 = arith.constant 0 : i32
        %dma_start3A_219 = tpu.memref_slice %arg6[%dma_start3A_215, %dma_start3A_217, %dma_start3A_218] : memref<2x512x64xf32, #tpu.memory_space<vmem>> -> memref<1x128x64xf32, #tpu.memory_space<vmem>>
        %dma_start3A_220 = tpu.memref_squeeze %dma_start3A_219 : memref<1x128x64xf32, #tpu.memory_space<vmem>> -> memref<128x64xf32, #tpu.memory_space<vmem>>
        %dma_start3A_221 = arith.constant 0 : i32
        %dma_start3A_222 = tpu.memref_slice %arg5[%dma_start3A_213, %dma_start3A_214, %dma_start3A_221] : memref<2x4x128xi32, #tpu.memory_space<vmem>> -> memref<1x1x128xi32, #tpu.memory_space<vmem>>
        %dma_start3A_223 = tpu.memref_squeeze %dma_start3A_222 : memref<1x1x128xi32, #tpu.memory_space<vmem>> -> memref<128xi32, #tpu.memory_space<vmem>>
        %dma_start3A_224 = arith.constant 0 : i32
        %dma_start3A_225 = arith.constant 0 : i32
        %dma_start3A_226 = tpu.memref_slice %arg3[%dma_start3A_224, %dma_start3A_225] : memref<1000000x64xf32, #tpu.memory_space<hbm>> -> memref<1000000x64xf32, #tpu.memory_space<hbm>>
        %dma_start3A_227 = tpu.memref_slice %arg7[%dma_start3A_216] : memref<2x!tpu.dma_semaphore, #tpu.memory_space<semaphore_mem>> -> memref<1x!tpu.dma_semaphore, #tpu.memory_space<semaphore_mem>>
        %dma_start3A_228 = tpu.memref_squeeze %dma_start3A_227 : memref<1x!tpu.dma_semaphore, #tpu.memory_space<semaphore_mem>> -> memref<!tpu.dma_semaphore, #tpu.memory_space<semaphore_mem>>
        tpu.enqueue_indirect_dma source(%dma_start3A_226 : memref<1000000x64xf32, #tpu.memory_space<hbm>>) target(%dma_start3A_220 : memref<128x64xf32, #tpu.memory_space<vmem>>) offsets(%dma_start3A_223 : memref<128xi32, #tpu.memory_space<vmem>>) semaphore(%dma_start3A_228 : memref<!tpu.dma_semaphore, #tpu.memory_space<semaphore_mem>>)
        %dma_start3A_229 = arith.constant 0 : i32
        %dma_start3A_230 = arith.constant 3 : i32
        %dma_start3A_231 = arith.constant 0 : i32
        %dma_start3A_232 = arith.constant 0 : i32
        %dma_start3A_233 = arith.constant 384 : i32
        %dma_start3A_234 = arith.constant 0 : i32
        %dma_start3A_235 = tpu.memref_slice %arg6[%dma_start3A_231, %dma_start3A_233, %dma_start3A_234] : memref<2x512x64xf32, #tpu.memory_space<vmem>> -> memref<1x128x64xf32, #tpu.memory_space<vmem>>
        %dma_start3A_236 = tpu.memref_squeeze %dma_start3A_235 : memref<1x128x64xf32, #tpu.memory_space<vmem>> -> memref<128x64xf32, #tpu.memory_space<vmem>>
        %dma_start3A_237 = arith.constant 0 : i32
        %dma_start3A_238 = tpu.memref_slice %arg5[%dma_start3A_229, %dma_start3A_230, %dma_start3A_237] : memref<2x4x128xi32, #tpu.memory_space<vmem>> -> memref<1x1x128xi32, #tpu.memory_space<vmem>>
        %dma_start3A_239 = tpu.memref_squeeze %dma_start3A_238 : memref<1x1x128xi32, #tpu.memory_space<vmem>> -> memref<128xi32, #tpu.memory_space<vmem>>
        %dma_start3A_240 = arith.constant 0 : i32
        %dma_start3A_241 = arith.constant 0 : i32
        %dma_start3A_242 = tpu.memref_slice %arg3[%dma_start3A_240, %dma_start3A_241] : memref<1000000x64xf32, #tpu.memory_space<hbm>> -> memref<1000000x64xf32, #tpu.memory_space<hbm>>
        %dma_start3A_243 = tpu.memref_slice %arg7[%dma_start3A_232] : memref<2x!tpu.dma_semaphore, #tpu.memory_space<semaphore_mem>> -> memref<1x!tpu.dma_semaphore, #tpu.memory_space<semaphore_mem>>
        %dma_start3A_244 = tpu.memref_squeeze %dma_start3A_243 : memref<1x!tpu.dma_semaphore, #tpu.memory_space<semaphore_mem>> -> memref<!tpu.dma_semaphore, #tpu.memory_space<semaphore_mem>>
        tpu.enqueue_indirect_dma source(%dma_start3A_242 : memref<1000000x64xf32, #tpu.memory_space<hbm>>) target(%dma_start3A_236 : memref<128x64xf32, #tpu.memory_space<vmem>>) offsets(%dma_start3A_239 : memref<128xi32, #tpu.memory_space<vmem>>) semaphore(%dma_start3A_244 : memref<!tpu.dma_semaphore, #tpu.memory_space<semaphore_mem>>)
      } else {
      }
      %dma_wait3A_129 = arith.constant 1 : i32
      %dma_wait3A_130 = arith.constant 1 : i32
      %dma_wait3A_131 = arith.constant 0 : i32
      %dma_wait3A_132 = arith.constant 0 : i32
      %dma_wait3A_133 = tpu.memref_slice %arg6[%dma_wait3A_129, %dma_wait3A_131, %dma_wait3A_132] : memref<2x512x64xf32, #tpu.memory_space<vmem>> -> memref<1x512x64xf32, #tpu.memory_space<vmem>>
      %dma_wait3A_134 = tpu.memref_squeeze %dma_wait3A_133 : memref<1x512x64xf32, #tpu.memory_space<vmem>> -> memref<512x64xf32, #tpu.memory_space<vmem>>
      %dma_wait3A_135 = arith.constant 0 : i32
      %dma_wait3A_136 = arith.constant 0 : i32
      %dma_wait3A_137 = tpu.memref_slice %arg3[%dma_wait3A_135, %dma_wait3A_136] : memref<1000000x64xf32, #tpu.memory_space<hbm>> -> memref<512x64xf32, #tpu.memory_space<hbm>>
      %dma_wait3A_138 = tpu.memref_slice %arg7[%dma_wait3A_130] : memref<2x!tpu.dma_semaphore, #tpu.memory_space<semaphore_mem>> -> memref<1x!tpu.dma_semaphore, #tpu.memory_space<semaphore_mem>>
      %dma_wait3A_139 = tpu.memref_squeeze %dma_wait3A_138 : memref<1x!tpu.dma_semaphore, #tpu.memory_space<semaphore_mem>> -> memref<!tpu.dma_semaphore, #tpu.memory_space<semaphore_mem>>
      %dma_wait3A_140 = arith.constant 0 : i32
      %dma_wait3A_141 = arith.constant 0 : i32
      %dma_wait3A_142 = tpu.memref_slice %arg6[%dma_wait3A_129, %dma_wait3A_140, %dma_wait3A_141] : memref<2x512x64xf32, #tpu.memory_space<vmem>> -> memref<1x512x64xf32, #tpu.memory_space<vmem>>
      %dma_wait3A_143 = tpu.memref_squeeze %dma_wait3A_142 : memref<1x512x64xf32, #tpu.memory_space<vmem>> -> memref<512x64xf32, #tpu.memory_space<vmem>>
      %dma_wait3A_144 = arith.constant 0 : i32
      %dma_wait3A_145 = arith.constant 0 : i32
      %dma_wait3A_146 = tpu.memref_slice %arg3[%dma_wait3A_144, %dma_wait3A_145] : memref<1000000x64xf32, #tpu.memory_space<hbm>> -> memref<512x64xf32, #tpu.memory_space<hbm>>
      tpu.wait_dma2 semaphore(%dma_wait3A_139 : memref<!tpu.dma_semaphore, #tpu.memory_space<semaphore_mem>>) src(%dma_wait3A_146 : memref<512x64xf32, #tpu.memory_space<hbm>>) dst(%dma_wait3A_143 : memref<512x64xf32, #tpu.memory_space<vmem>>)
      %mul3A_147 = arith.constant 512 : i32
      %mul3A_148 = arith.muli %add3A_121, %mul3A_147 : i32
      %add3A_149 = arith.addi %mul3A_2, %mul3A_148 : i32
      %run_scoped3A_150 = arith.constant 1 : i32
      "tpu.region"() ({
        %run_scoped3A_151 = tpu.sem_alloc : memref<!tpu.dma_semaphore, #tpu.memory_space<semaphore_mem>>
        %dma_start3A_152 = arith.constant 0 : i32
        %dma_start3A_153 = arith.constant 0 : i32
        %dma_start3A_154 = tpu.memref_slice %arg6[%run_scoped3A_150, %dma_start3A_152, %dma_start3A_153] : memref<2x512x64xf32, #tpu.memory_space<vmem>> -> memref<1x512x64xf32, #tpu.memory_space<vmem>>
        %dma_start3A_155 = tpu.memref_squeeze %dma_start3A_154 : memref<1x512x64xf32, #tpu.memory_space<vmem>> -> memref<512x64xf32, #tpu.memory_space<vmem>>
        %dma_start3A_156 = arith.constant 0 : i32
        %dma_start3A_157 = tpu.memref_slice %arg4[%add3A_149, %dma_start3A_156] : memref<819200x64xf32, #tpu.memory_space<hbm>> -> memref<512x64xf32, #tpu.memory_space<hbm>>
        %dma_start3A_158 = arith.constant 0 : i32
        %dma_start3A_159 = tpu.memref_slice %arg4[%add3A_149, %dma_start3A_158] : memref<819200x64xf32, #tpu.memory_space<hbm>> -> memref<512x64xf32, #tpu.memory_space<hbm>>
        %dma_start3A_160 = arith.constant 0 : i32
        %dma_start3A_161 = arith.constant 0 : i32
        %dma_start3A_162 = tpu.memref_slice %arg6[%run_scoped3A_150, %dma_start3A_160, %dma_start3A_161] : memref<2x512x64xf32, #tpu.memory_space<vmem>> -> memref<1x512x64xf32, #tpu.memory_space<vmem>>
        %dma_start3A_163 = tpu.memref_squeeze %dma_start3A_162 : memref<1x512x64xf32, #tpu.memory_space<vmem>> -> memref<512x64xf32, #tpu.memory_space<vmem>>
        tpu.enqueue_dma source(%dma_start3A_163 : memref<512x64xf32, #tpu.memory_space<vmem>>) target(%dma_start3A_159 : memref<512x64xf32, #tpu.memory_space<hbm>>) target_semaphore(%run_scoped3A_151 : memref<!tpu.dma_semaphore, #tpu.memory_space<semaphore_mem>>)
        %dma_wait3A_164 = arith.constant 0 : i32
        %dma_wait3A_165 = arith.constant 0 : i32
        %dma_wait3A_166 = tpu.memref_slice %arg6[%run_scoped3A_150, %dma_wait3A_164, %dma_wait3A_165] : memref<2x512x64xf32, #tpu.memory_space<vmem>> -> memref<1x512x64xf32, #tpu.memory_space<vmem>>
        %dma_wait3A_167 = tpu.memref_squeeze %dma_wait3A_166 : memref<1x512x64xf32, #tpu.memory_space<vmem>> -> memref<512x64xf32, #tpu.memory_space<vmem>>
        %dma_wait3A_168 = arith.constant 0 : i32
        %dma_wait3A_169 = tpu.memref_slice %arg4[%add3A_149, %dma_wait3A_168] : memref<819200x64xf32, #tpu.memory_space<hbm>> -> memref<512x64xf32, #tpu.memory_space<hbm>>
        %dma_wait3A_170 = arith.constant 0 : i32
        %dma_wait3A_171 = tpu.memref_slice %arg4[%add3A_149, %dma_wait3A_170] : memref<819200x64xf32, #tpu.memory_space<hbm>> -> memref<512x64xf32, #tpu.memory_space<hbm>>
        %dma_wait3A_172 = arith.constant 0 : i32
        %dma_wait3A_173 = arith.constant 0 : i32
        %dma_wait3A_174 = tpu.memref_slice %arg6[%run_scoped3A_150, %dma_wait3A_172, %dma_wait3A_173] : memref<2x512x64xf32, #tpu.memory_space<vmem>> -> memref<1x512x64xf32, #tpu.memory_space<vmem>>
        %dma_wait3A_175 = tpu.memref_squeeze %dma_wait3A_174 : memref<1x512x64xf32, #tpu.memory_space<vmem>> -> memref<512x64xf32, #tpu.memory_space<vmem>>
        tpu.wait_dma2 semaphore(%run_scoped3A_151 : memref<!tpu.dma_semaphore, #tpu.memory_space<semaphore_mem>>) src(%dma_wait3A_175 : memref<512x64xf32, #tpu.memory_space<vmem>>) dst(%dma_wait3A_171 : memref<512x64xf32, #tpu.memory_space<hbm>>)
        tpu.yield
      }) : () -> ()
    }
    %scan3A_87 = arith.constant 25 : i32
    return
  }
}

</mosaic_0001>

<sc_bundles>
// kernel: kernel.3.cloned.1.call-start
scs
__scs_entry_jumppad:
0x0: {  	(pc) =	sbr.rel $0x88, $3  }
0x1: {  	(tag) =	ssettag $0x0;
	lr =	simm.s32 $0x1  }
0x2: {  	[smem:$0x3F9F] =	sst lr;
	_ =	strace $0xD0000000  }
0x3: {  	_ = 	snop  }
0x4: {  	_ = 	snop  }
0x5: {  	_ = 	snop  }
0x6: {  	_ = 	snop  }
0x7: {  	_ = 	snop  }
__scs_overlays_trampoline_lowered:
0x8: {  	[smem:$0x3FAE] =	sst s0  }
0x9: {  	[smem:$0x3FAF] =	sst s1  }
0xa: {  	[smem:$0x3FB0] =	sst s2  }
0xb: {  	[smem:$0x3FB1] =	sst s3  }
0xc: {  	[smem:$0x3FB2] =	sst s4  }
0xd: {  	[smem:$0x3FB3] =	sst s5  }
0xe: {  	[smem:$0x3FB4] =	sst s6  }
0xf: {  	[smem:$0x3FB5] =	sst s7  }
0x10: {  	[smem:$0x3FB6] =	sst s8  }
0x11: {  	[smem:$0x3FB7] =	sst s9;
	s0 =	simm.s32 @!p0 $0x0  }
0x12: {  	s1 =	sld [smem:$0x3F9D];
	s0 =	simm.s32 @p0 $0x1  }
0x13: {  	[smem:$0x3FB8] =	sst s0;
	s0 =	simm.s32 @!p1 $0x0  }
0x14: {  	s2 =	sld [smem:$0x3F9C];
	s0 =	simm.s32 @p1 $0x1  }
0x15: {  	[smem:$0x3FB9] =	sst s0;
	s0 =	simm.s32 @!p2 $0x0  }
0x16: {  	s3 =	sld [smem:$0x3FDB];
	s0 =	simm.s32 @p2 $0x1  }
0x17: {  	s4 =	simm.s32 $0x1BF5;
	[smem:$0x3FBB] =	sst s0  }
0x18: {  	s0 =	sld [smem:$0x3F9E];
	_ =	swait.ge [sflag:s4], $0x0  }
0x19: {  	s7 =	sld [smem:$0x3F9F]  }
0x1a: {  	s8 =	sadd.s32 $0xFFFFE003, lr  }
0x1b: {  	s9 =	sadd.s32 $0xFFFFFEF7, lr;
	s5 =	simm.s32 $0xFFFFFFFF;
	p2 =	slt.u32 s8, $0xFFFFF086  }
0x1c: {  	p1 =	slt.u32 s9, $0xF7A;
	s5 =	simm.s32 @!p2 $0x0  }
0x1d: {  	s5 =	simm.s32 @p1 $0x1;
	p0 =	seq.s32 s7, s2  }
0x1e: {  	s7 =	smul.u32 @!p0 $0xF7A, s2;
	p2 =	seq.s32 @!p0 s5, $0x0  }
0x1f: {  	s9 =	smul.u32 $0xF7A, s1;
	s8 =	simm.s32 @!p0 $0x1BF5;
	p2 =	por !p2, p0  }
0x20: {  	[sflag:s8] =	ssyncset.s32 @!p0 $0xFFFFF086;
	s6 =	sadd.s32 @!p0 s3, s7;
	s7 =	simm.s32 @!p0 $0x108  }
0x21: {  	s3 =	sadd.s32 s3, s9;
	s6 =	sadd.s32 @!p0 $0x88, s6;
	s7 =	simm.s32 @p2 $0x1082  }
0x22: {  	[simem:s7], [sflag:s8] =	dma.local @!p0 [hbm:s6], $0xF7A  }
0x23: {  	s9 =	sor.u32 $0xD0000000, s2;
	s6 =	simm.s32 $0x108;
	_ =	swait.ge @!p0 [sflag:s8], $0x0  }
0x24: {  	s3 =	sadd.s32 $0x88, s3;
	s6 =	simm.s32 @!p1 $0x1082;
	[sflag:s4] =	ssyncset.s32 $0xFFFFF086  }
0x25: {  	[simem:s6], [sflag:s4] =	dma.local [hbm:s3], $0xF7A  }
0x26: {  	[smem:$0x3F9F] =	sst s1;
	(tag) =	ssettag s2;
	_ =	strace s9  }
0x27: {  	s1 =	sld [smem:$0x3FAF]  }
0x28: {  	s2 =	sld [smem:$0x3FB0]  }
0x29: {  	s4 =	sld [smem:$0x3FB2]  }
0x2a: {  	p0 =	seq.s32 s5, $0x0;
	s5 =	sld [smem:$0x3FB3]  }
0x2b: {  	s6 =	sld [smem:$0x3FB4]  }
0x2c: {  	s7 =	sld [smem:$0x3FB5]  }
0x2d: {  	s3 =	simm.s32 $0x108;
	s8 =	sld [smem:$0x3FB6]  }
0x2e: {  	s3 =	simm.s32 @!p0 $0x1082;
	s9 =	sld [smem:$0x3FB7]  }
0x2f: {  	lr =	sadd.s32 s0, s3;
	s0 =	sld [smem:$0x3FAE]  }
0x30: {  	s3 =	sld [smem:$0x3FB1]  }
0x31: {  	[smem:$0x3FBA] =	sst s10  }
0x32: {  	s10 =	sld [smem:$0x3FB8];
	_ =	sdelay $0x3  }
0x33: {  	p0 =	seq.s32 s10, $0x1;
	s10 =	sld [smem:$0x3FBA];
	_ =	sdelay $0x3  }
0x34: {  	[smem:$0x3FBA] =	sst s10  }
0x35: {  	s10 =	sld [smem:$0x3FB9];
	_ =	sdelay $0x3  }
0x36: {  	p1 =	seq.s32 s10, $0x1;
	s10 =	sld [smem:$0x3FBA];
	_ =	sdelay $0x3  }
0x37: {  	[smem:$0x3FBA] =	sst s10  }
0x38: {  	s10 =	sld [smem:$0x3FBB]  }
0x39: {  	_ = 	snop;
	(pc) =	sbr.ind lr, $3  }
0x3a: {  	_ = 	snop  }
0x3b: {  	_ = 	snop  }
0x3c: {  	p2 =	seq.s32 s10, $0x1;
	s10 =	sld [smem:$0x3FBA]  }
0x3d: {  	_ =	shalt  }
0x3e: {  	_ =	shalt  }
0x3f: {  	_ =	shalt  }
0x40: {  	_ =	shalt  }
0x41: {  	_ =	shalt  }
0x42: {  	_ =	shalt  }
0x43: {  	_ =	shalt  }
0x44: {  	_ =	shalt  }
0x45: {  	_ =	shalt  }
0x46: {  	_ =	shalt  }
0x47: {  	_ =	shalt  }
0x48: {  	_ =	shalt  }
0x49: {  	_ =	shalt  }
0x4a: {  	_ =	shalt  }
0x4b: {  	_ =	shalt  }
0x4c: {  	_ =	shalt  }
0x4d: {  	_ =	shalt  }
0x4e: {  	_ =	shalt  }
0x4f: {  	_ =	shalt  }
0x50: {  	_ =	shalt  }
0x51: {  	_ =	shalt  }
0x52: {  	_ =	shalt  }
0x53: {  	_ =	shalt  }
0x54: {  	_ =	shalt  }
0x55: {  	_ =	shalt  }
0x56: {  	_ =	shalt  }
0x57: {  	_ =	shalt  }
0x58: {  	_ =	shalt  }
0x59: {  	_ =	shalt  }
0x5a: {  	_ =	shalt  }
0x5b: {  	_ =	shalt  }
0x5c: {  	_ =	shalt  }
0x5d: {  	_ =	shalt  }
0x5e: {  	_ =	shalt  }
0x5f: {  	_ =	shalt  }
0x60: {  	_ =	shalt  }
0x61: {  	_ =	shalt  }
0x62: {  	_ =	shalt  }
0x63: {  	_ =	shalt  }
0x64: {  	_ =	shalt  }
0x65: {  	_ =	shalt  }
0x66: {  	_ =	shalt  }
0x67: {  	_ =	shalt  }
0x68: {  	_ =	shalt  }
0x69: {  	_ =	shalt  }
0x6a: {  	_ =	shalt  }
0x6b: {  	_ =	shalt  }
0x6c: {  	_ =	shalt  }
0x6d: {  	_ =	shalt  }
0x6e: {  	_ =	shalt  }
0x6f: {  	_ =	shalt  }
0x70: {  	_ =	shalt  }
0x71: {  	_ =	shalt  }
0x72: {  	_ =	shalt  }
0x73: {  	_ =	shalt  }
0x74: {  	_ =	shalt  }
0x75: {  	_ =	shalt  }
0x76: {  	_ =	shalt  }
0x77: {  	_ =	shalt  }
0x78: {  	_ =	shalt  }
0x79: {  	_ =	shalt  }
0x7a: {  	_ =	shalt  }
0x7b: {  	_ =	shalt  }
0x7c: {  	_ =	shalt  }
0x7d: {  	_ =	shalt  }
0x7e: {  	_ =	shalt  }
0x7f: {  	_ =	shalt  }
0x80: {  	_ =	shalt  }
0x81: {  	_ =	shalt  }
0x82: {  	_ =	shalt  }
0x83: {  	_ =	shalt  }
0x84: {  	_ =	shalt  }
0x85: {  	_ =	shalt  }
0x86: {  	_ =	shalt  }
0x87: {  	_ =	shalt  }
.Lfunc_end0:
.L_simem_size_0:
called_computation.1_lowered:
.L_overlay_start_0:
0x88: {  	s2 =	sld [smem:$0x3FD9]  }
0x89: {  	s3 =	sld [smem:$0x3FFE];
	_ =	sdelay $0x1  }
0x8a: {  	s1 =	srdreg.scid  }
0x8b: {  	s0 =	sand.u32 $0x1, s1  }
0x8c: {  	s17 =	sshll.u32 s0, $0xA;
	s2 =	sadd.s32 s3, s2  }
0x8d: {  	s2 =	sadd.s32 s2, s17  }
0x8e: {  	[smem:$0x3FC6] =	sst s2  }
0x8f: {  	_ = 	snop  }
0x90: {  	s2 =	sld [smem:$0x3FD0];
	(tm) =	ssettm $0x1  }
0x91: {  	s18 =	sld [smem:$0x3FFB];
	_ =	sdelay $0x3  }
0x92: {  	_ =	strace s18  }
0x93: {  	s3 =	sld [smem:$0x3FFC];
	_ =	sdelay $0x3  }
0x94: {  	_ =	strace s3  }
0x95: {  	s3 =	sld [smem:$0x3FFD];
	_ =	sdelay $0x3  }
0x96: {  	_ =	strace s3  }
0x97: {  	_ =	strace $0x8FFFFFFF  }
0x98: {  	s19 =	sld [smem:$0x3FDB];
	_ =	sdelay $0x1  }
0x99: {  	s4 =	simm.s32 $_scs_section_size  }
0x9a: {  	s5 =	simm.s32 $_size__tile_overlayer_lowered;
	s6 =	simm.s32 $_tile_overlayer_lowered  }
0x9b: {  	s22 =	simm.s32 $0x1BFF;
	s21 =	sshll.u32 s6, $0x1;
	s3 =	sadd.s32 s4, s19  }
0x9c: {  	s7 =	simm.s32 $0x0;
	s20 =	sshll.u32 s5, $0x1;
	s5 =	sadd.s32 s21, s3  }
0x9d: {  	[timem:s7], [sflag:s22] =	dma.local [hbm:s5], s20  }
0x9e: {  	_ =	swait.ge [sflag:s22], s20  }
0x9f: {  	s4 =	ssub.s32 $0x0, s20;
	[sflag:s22] =	ssyncset.done $0x0  }
0xa0: {  	[sflag:s22] =	ssyncadd.s32 s4;
	_ =	sdelay $0x1  }
0xa1: {  	s23 =	simm.s32 $0x1B8B  }
0xa2: {  	_ =	swait.ge [sflag:s23], $0x1  }
0xa3: {  	[sflag:s23] =	ssyncset.done $0x0  }
0xa4: {  	s25 =	simm.s32 $0x1B8E;
	s24 =	sld [smem:$0x3FFE];
	[sflag:s23] =	ssyncadd.s32 $0xFFFFFFFF  }
0xa5: {  	s26 =	simm.s32 $execute0_lowered;
	[smem:$0x3FD2] =	sst s25  }
0xa6: {  	s5 =	sshll.u32 s26, $0x1;
	_ =	strace $0x80000046;
	[dreg:$0x1] =	wrdreg $0xFFFFFFFF  }
0xa7: {  	s28 =	simm.s32 $_size_execute0_lowered;
	s3 =	sadd.s32 s3, s5;
	[dreg:$0x0] =	wrdreg $0x0  }
0xa8: {  	s5 =	sshll.u32 s28, $0x1;
	[dreg:$0x2] =	wrdreg s3  }
0xa9: {  	[dreg:$0x3] =	wrdreg s5  }
0xaa: {  	[dreg:$0x4] =	wrdreg $0xC0  }
0xab: {  	_ =	task [dreg:s7], $0x5FFFF  }
0xac: {  	[dreg:$0x1] =	wrdreg $0xFFFFFFFF  }
0xad: {  	[dreg:$0x0] =	wrdreg $0x60  }
0xae: {  	[dreg:$0x2] =	wrdreg s24  }
0xaf: {  	[dreg:$0x3] =	wrdreg s2  }
0xb0: {  	[dreg:$0x4] =	wrdreg $0x9  }
0xb1: {  	_ =	task.clear_ibuf [dreg:s7], $0x5FFFF;
	_ =	strace $0x90000046  }
0xb2: {  	s29 =	simm.s32 $0x9;
	_ =	strace $0x80000048  }
0xb3: {  	_ =	swait.ge [sflag:s29], $0x1  }
0xb4: {  	[sflag:s29] =	ssyncadd.s32 $0xFFFFFFFF  }
0xb5: {  	_ =	strace $0x90000048  }
0xb6: {  	_ =	sfence  }
0xb7: {  	s30 =	sld [smem:$0x0];
	_ =	sdelay $0x2  }
0xb8: {  	s31 =	sshll.u32 s1, $0xD;
	s1 =	sshrl.u32 s1, $0x2  }
0xb9: {  	s3 =	sand.u32 $0x4000, s31;
	s1 =	sadd.s32 s1, s30  }
0xba: {  	s0 =	sor.u32 s3, s0;
	s1 =	sshll.u32 s1, $0x11  }
0xbb: {  	s0 =	sor.u32 s1, s0  }
0xbc: {  	s0 =	sadd.s32 $0x8F2B, s0  }
0xbd: {  	[sflag:s0] =	ssyncadd.remote.s32 $0x1  }
0xbe: {  	_ =	sfence.sel $0xFFFF  }
0xbf: {  	[dreg:$0x0] =	wrdreg $0xFFFFFFFF;
	(pc) =	sbr.abs _section_cstart, $3  }
0xc0: {  	[dreg:$0x1] =	wrdreg $0xFFFFFFFF  }
0xc1: {  	_ =	task.clear_ibuf [dreg:s7], $0x2FFFF;
	_ =	strace $0x9FFFFFFF  }
0xc2: {  	(tm) =	ssettm $0x7FFFFFFF  }
0xc3: {  	_ =	shalt  }
tec
execute0_lowered:
.L_overlay_start_1:
0x0: {  	(tag) =	ssettag $0x1  }
0x1: {  	s0 =	rddreg [dreg:$0x0];
	s1 =	srdreg.scid  }
0x2: {  	s11 =	stileid.u32;
	s7 =	rddreg [dreg:$0x1]  }
0x3: {  	s2 =	simm.s32 $0x0;
	s13 =	simm.s32 $0x3;
	s14 =	simm.s32 $0x80  }
0x4: {  	s15 =	simm.s32 $0x400;
	s16 =	simm.s32 $0x2400;
	s17 =	simm.s32 $0x100  }
0x5: {  	s28 =	simm.s32 $0x380;
	s29 =	simm.s32 $0xE400;
	s9 =	smul.u32 $0xC800, s11  }
0x6: {  	s30 =	simm.s32 $0x1;
	s1 =	sand.u32 $0x1, s1;
	s19 =	smul.u32 $0x320000, s11  }
0x7: {  	s31 =	simm.s32 $0x2;
	s3 =	sshll.u32 s11, $0x1;
	s10 =	smul.u32 $0x6400, s1  }
0x8: {  	s3 =	sor.u32 s1, s3;
	s8 =	ssub.s32 $0x2, s1;
	s1 =	smul.u32 $0x190000, s1  }
0x9: {  	[smem:$0x7FF] =	sst s2;
	s4 =	sadd.s32 $0x19800, s0;
	s5 =	smul.u32 $0x6400, s3  }
0xa: {  	_ =	strace $0x80000047;
	s6 =	smul.u32 $0x190000, s3;
	s18 =	sshrl.u32 s8, $0x1  }
0xb: {  	s3 =	sadd.s32 $0x800, s0;
	s0 =	ssub.s32 s8, s18;
	s10 =	sadd.s32 s10, s9  }
0xc: {  	s1 =	sadd.s32 s1, s19;
	s18 =	simm.s32 $0x4400;
	s19 =	simm.s32 $0x180  }
0xd: {  	s5 =	sshrl.u32 s5, $0x3;
	s6 =	sshrl.u32 s6, $0x3;
	s0 =	smax.u32 s0, $0x1  }
0xe: {  	s23 =	sshrl.u32 s1, $0x3;
	s1 =	sor.u32 $0x8000, s1;
	s24 =	sor.u32 $0x200, s10  }
0xf: {  	s5 =	sadd.s32 s3, s5;
	[dreg:$0x5] =	wrdreg s0;
	s21 =	sadd.s32 s7, s6  }
0x10: {  	s6 =	sadd.s32 $0x400, s10;
	s0 =	sadd.s32 s23, s7;
	s25 =	sshrl.u32 s1, $0x3  }
0x11: {  	s26 =	sshrl.u32 s24, $0x3;
	s23 =	simm.s32 $0x280;
	s24 =	simm.s32 $0xA400  }
0x12: {  	s1 =	simm.s32 $0x0;
	[dreg:$0x4] =	wrdreg s5;
	s20 =	sadd.s32 $0xC40, s5  }
0x13: {  	s22 =	sadd.s32 $0x30000, s21;
	s9 =	sadd.s32 $0x31000, s21;
	[dreg:$0x3] =	wrdreg s0  }
0x14: {  	s11 =	sadd.s32 s25, s7;
	s7 =	sadd.s32 s26, s3;
	s21 =	simm.s32 $0x200  }
0x15: {  	s25 =	simm.s32 $0x300;
	s26 =	simm.s32 $0xC400;
	[dreg:$0x6] =	wrdreg s20  }
0x16: {  	[dreg:$0x7] =	wrdreg s22;
	s20 =	simm.s32 $0x6400;
	s22 =	simm.s32 $0x8400  }
.LBB2_1:
0x17: {  	s0 =	rddreg [dreg:$0x4]  }
0x18: {  	[tilespmem:s2], [sflag:$0x3] =	stream.linear.gather [hbm4b:s0+s2], $0x200, $0x38;
	[tilespmem:$0x10400] =	vst v63  }
0x19: {  	_ =	swait.ge [sflag:s13], $0x200  }
0x1a: {  	[sflag:s13] =	ssyncset.done $0x0  }
0x1b: {  	[sflag:s13] =	ssyncadd.s32 $0xFFFFFE00  }
0x1c: {  	[tilespmem:s15], [sflag:$0x1] =	stream.indirect.gather [hbm4b:s4+s14], $0x40, s2, s14, $0xb8;
	[tilespmem:$0x10400] =	vst v63  }
0x1d: {  	_ = 	snop  }
0x1e: {  	[tilespmem:s16], [sflag:$0x1] =	stream.indirect.gather [hbm4b:s4+s14], $0x40, s14, s14, $0xb8;
	[tilespmem:$0x10400] =	vst v63  }
0x1f: {  	_ = 	snop  }
0x20: {  	[tilespmem:s18], [sflag:$0x1] =	stream.indirect.gather [hbm4b:s4+s14], $0x40, s17, s14, $0xb8;
	[tilespmem:$0x10400] =	vst v63  }
0x21: {  	_ = 	snop  }
0x22: {  	[tilespmem:s20], [sflag:$0x1] =	stream.indirect.gather [hbm4b:s4+s14], $0x40, s19, s14, $0xb8;
	[tilespmem:$0x10400] =	vst v63  }
0x23: {  	_ = 	snop  }
0x24: {  	[tilespmem:s21], [sflag:$0x3] =	stream.linear.gather [hbm4b:s7+s2], $0x200, $0x38;
	[tilespmem:$0x10400] =	vst v63  }
0x25: {  	_ =	swait.ge [sflag:s13], $0x200  }
0x26: {  	[sflag:s13] =	ssyncset.done $0x0  }
0x27: {  	[sflag:s13] =	ssyncadd.s32 $0xFFFFFE00  }
0x28: {  	[tilespmem:s22], [sflag:$0x2] =	stream.indirect.gather [hbm4b:s4+s14], $0x40, s21, s14, $0xb8;
	[tilespmem:$0x10400] =	vst v63  }
0x29: {  	_ = 	snop  }
0x2a: {  	[tilespmem:s24], [sflag:$0x2] =	stream.indirect.gather [hbm4b:s4+s14], $0x40, s23, s14, $0xb8;
	[tilespmem:$0x10400] =	vst v63  }
0x2b: {  	_ = 	snop  }
0x2c: {  	[tilespmem:s26], [sflag:$0x2] =	stream.indirect.gather [hbm4b:s4+s14], $0x40, s25, s14, $0xb8;
	[tilespmem:$0x10400] =	vst v63  }
0x2d: {  	_ = 	snop  }
0x2e: {  	[tilespmem:s29], [sflag:$0x2] =	stream.indirect.gather [hbm4b:s4+s14], $0x40, s28, s14, $0xb8;
	[tilespmem:$0x10400] =	vst v63  }
0x2f: {  	_ =	swait.ge [sflag:s30], $0x8000  }
0x30: {  	s8 =	rddreg [dreg:$0x3];
	[sflag:s30] =	ssyncset.done $0x0  }
0x31: {  	[sflag:s30] =	ssyncadd.s32 $0xFFFF8000;
	s0 =	sadd.s32 $0x0, s8  }
0x32: {  	[hbm4b:s0+s2] =	stream.linear.scatter [tilespmem:s15], [sflag:$0x3], $0x8000, $0x38;
	[tilespmem:$0x10400] =	vst v63  }
0x33: {  	_ =	swait.ge [sflag:s13], $0x8000  }
0x34: {  	s10 =	sshrl.u32 s6, $0x3;
	[sflag:s13] =	ssyncset.done $0x0  }
0x35: {  	s0 =	sadd.s32 s3, s10;
	[sflag:s13] =	ssyncadd.s32 $0xFFFF8000  }
0x36: {  	[tilespmem:s2], [sflag:$0x3] =	stream.linear.gather [hbm4b:s0+s2], $0x200, $0x38;
	[tilespmem:$0x10400] =	vst v63  }
0x37: {  	_ =	swait.ge [sflag:s13], $0x200  }
0x38: {  	[sflag:s13] =	ssyncset.done $0x0  }
0x39: {  	[sflag:s13] =	ssyncadd.s32 $0xFFFFFE00  }
0x3a: {  	[tilespmem:s15], [sflag:$0x1] =	stream.indirect.gather [hbm4b:s4+s14], $0x40, s2, s14, $0xb8;
	[tilespmem:$0x10400] =	vst v63  }
0x3b: {  	_ = 	snop  }
0x3c: {  	[tilespmem:s16], [sflag:$0x1] =	stream.indirect.gather [hbm4b:s4+s14], $0x40, s14, s14, $0xb8;
	[tilespmem:$0x10400] =	vst v63  }
0x3d: {  	_ = 	snop  }
0x3e: {  	[tilespmem:s18], [sflag:$0x1] =	stream.indirect.gather [hbm4b:s4+s14], $0x40, s17, s14, $0xb8;
	[tilespmem:$0x10400] =	vst v63  }
0x3f: {  	_ = 	snop  }
0x40: {  	[tilespmem:s20], [sflag:$0x1] =	stream.indirect.gather [hbm4b:s4+s14], $0x40, s19, s14, $0xb8;
	[tilespmem:$0x10400] =	vst v63  }
0x41: {  	_ =	swait.ge [sflag:s31], $0x8000  }
0x42: {  	[sflag:s31] =	ssyncset.done $0x0  }
0x43: {  	s12 =	sadd.s32 $0x0, s11;
	[sflag:s31] =	ssyncadd.s32 $0xFFFF8000  }
0x44: {  	[hbm4b:s12+s2] =	stream.linear.scatter [tilespmem:s22], [sflag:$0x3], $0x8000, $0x38;
	[tilespmem:$0x10400] =	vst v63  }
0x45: {  	s10 =	smov.u32 s6;
	_ =	swait.ge [sflag:s13], $0x8000  }
0x46: {  	s0 =	simm.s32 $0x2000;
	s12 =	smov.u32 s7;
	[sflag:s13] =	ssyncset.done $0x0  }
.LBB2_2:
0x47: {  	[sflag:s13] =	ssyncadd.s32 $0xFFFF8000;
	s12 =	sadd.s32 $0x80, s12  }
0x48: {  	[tilespmem:s21], [sflag:$0x3] =	stream.linear.gather [hbm4b:s12+s2], $0x200, $0x38;
	[tilespmem:$0x10400] =	vst v63  }
0x49: {  	_ =	swait.ge [sflag:s13], $0x200  }
0x4a: {  	[sflag:s13] =	ssyncset.done $0x0  }
0x4b: {  	[sflag:s13] =	ssyncadd.s32 $0xFFFFFE00  }
0x4c: {  	[tilespmem:s22], [sflag:$0x2] =	stream.indirect.gather [hbm4b:s4+s14], $0x40, s21, s14, $0xb8;
	[tilespmem:$0x10400] =	vst v63  }
0x4d: {  	_ = 	snop  }
0x4e: {  	[tilespmem:s24], [sflag:$0x2] =	stream.indirect.gather [hbm4b:s4+s14], $0x40, s23, s14, $0xb8;
	[tilespmem:$0x10400] =	vst v63  }
0x4f: {  	_ = 	snop  }
0x50: {  	[tilespmem:s26], [sflag:$0x2] =	stream.indirect.gather [hbm4b:s4+s14], $0x40, s25, s14, $0xb8;
	[tilespmem:$0x10400] =	vst v63  }
0x51: {  	_ = 	snop  }
0x52: {  	[tilespmem:s29], [sflag:$0x2] =	stream.indirect.gather [hbm4b:s4+s14], $0x40, s28, s14, $0xb8;
	[tilespmem:$0x10400] =	vst v63  }
0x53: {  	_ =	swait.ge [sflag:s30], $0x8000  }
0x54: {  	s8 =	smov.u32 s0;
	s5 =	rddreg [dreg:$0x3];
	[sflag:s30] =	ssyncset.done $0x0  }
0x55: {  	[sflag:s30] =	ssyncadd.s32 $0xFFFF8000;
	s5 =	sadd.s32 s8, s5  }
0x56: {  	[hbm4b:s5+s2] =	stream.linear.scatter [tilespmem:s15], [sflag:$0x3], $0x8000, $0x38;
	[tilespmem:$0x10400] =	vst v63  }
0x57: {  	s10 =	sadd.s32 $0x400, s10;
	_ =	swait.ge [sflag:s13], $0x8000  }
0x58: {  	s5 =	sshrl.u32 s10, $0x3;
	[sflag:s13] =	ssyncset.done $0x0  }
0x59: {  	s5 =	sadd.s32 s3, s5;
	[sflag:s13] =	ssyncadd.s32 $0xFFFF8000  }
0x5a: {  	[tilespmem:s2], [sflag:$0x3] =	stream.linear.gather [hbm4b:s5+s2], $0x200, $0x38;
	[tilespmem:$0x10400] =	vst v63  }
0x5b: {  	_ =	swait.ge [sflag:s13], $0x200  }
0x5c: {  	[sflag:s13] =	ssyncset.done $0x0  }
0x5d: {  	[sflag:s13] =	ssyncadd.s32 $0xFFFFFE00  }
0x5e: {  	[tilespmem:s15], [sflag:$0x1] =	stream.indirect.gather [hbm4b:s4+s14], $0x40, s2, s14, $0xb8;
	[tilespmem:$0x10400] =	vst v63  }
0x5f: {  	_ = 	snop  }
0x60: {  	[tilespmem:s16], [sflag:$0x1] =	stream.indirect.gather [hbm4b:s4+s14], $0x40, s14, s14, $0xb8;
	[tilespmem:$0x10400] =	vst v63  }
0x61: {  	_ = 	snop  }
0x62: {  	[tilespmem:s18], [sflag:$0x1] =	stream.indirect.gather [hbm4b:s4+s14], $0x40, s17, s14, $0xb8;
	[tilespmem:$0x10400] =	vst v63  }
0x63: {  	_ = 	snop  }
0x64: {  	[tilespmem:s20], [sflag:$0x1] =	stream.indirect.gather [hbm4b:s4+s14], $0x40, s19, s14, $0xb8;
	[tilespmem:$0x10400] =	vst v63  }
0x65: {  	p0 =	sne.s32 s0, $0x2E000;
	_ =	swait.ge [sflag:s31], $0x8000  }
.Ltmp0:
0x66: {  	[sflag:s31] =	ssyncset.done $0x0;
	(pc) =	sbr.rel @p0 .LBB2_2-.Ltmp0, $4  }
0x67: {  	s8 =	sadd.s32 s8, s11;
	[sflag:s31] =	ssyncadd.s32 $0xFFFF8000  }
0x68: {  	[hbm4b:s8+s2] =	stream.linear.scatter [tilespmem:s22], [sflag:$0x3], $0x8000, $0x38;
	[tilespmem:$0x10400] =	vst v63  }
0x69: {  	_ =	swait.ge [sflag:s13], $0x8000  }
0x6a: {  	s0 =	sadd.s32 $0x2000, s0;
	[sflag:s13] =	ssyncset.done $0x0  }
0x6b: {  	[sflag:s13] =	ssyncadd.s32 $0xFFFF8000;
	s0 =	rddreg [dreg:$0x6]  }
0x6c: {  	[tilespmem:s21], [sflag:$0x3] =	stream.linear.gather [hbm4b:s0+s2], $0x200, $0x38;
	[tilespmem:$0x10400] =	vst v63  }
0x6d: {  	_ =	swait.ge [sflag:s13], $0x200  }
0x6e: {  	[sflag:s13] =	ssyncset.done $0x0  }
0x6f: {  	[sflag:s13] =	ssyncadd.s32 $0xFFFFFE00  }
0x70: {  	[tilespmem:s22], [sflag:$0x2] =	stream.indirect.gather [hbm4b:s4+s14], $0x40, s21, s14, $0xb8;
	[tilespmem:$0x10400] =	vst v63  }
0x71: {  	_ = 	snop  }
0x72: {  	[tilespmem:s24], [sflag:$0x2] =	stream.indirect.gather [hbm4b:s4+s14], $0x40, s23, s14, $0xb8;
	[tilespmem:$0x10400] =	vst v63  }
0x73: {  	_ = 	snop  }
0x74: {  	[tilespmem:s26], [sflag:$0x2] =	stream.indirect.gather [hbm4b:s4+s14], $0x40, s25, s14, $0xb8;
	[tilespmem:$0x10400] =	vst v63  }
0x75: {  	_ = 	snop  }
0x76: {  	[tilespmem:s29], [sflag:$0x2] =	stream.indirect.gather [hbm4b:s4+s14], $0x40, s28, s14, $0xb8;
	[tilespmem:$0x10400] =	vst v63  }
0x77: {  	_ =	swait.ge [sflag:s30], $0x8000  }
0x78: {  	[sflag:s30] =	ssyncset.done $0x0  }
0x79: {  	s10 =	rddreg [dreg:$0x7];
	[sflag:s30] =	ssyncadd.s32 $0xFFFF8000  }
0x7a: {  	[hbm4b:s10+s2] =	stream.linear.scatter [tilespmem:s15], [sflag:$0x3], $0x8000, $0x38;
	[tilespmem:$0x10400] =	vst v63  }
0x7b: {  	_ =	swait.ge [sflag:s13], $0x8000  }
0x7c: {  	[sflag:s13] =	ssyncset.done $0x0  }
0x7d: {  	[sflag:s13] =	ssyncadd.s32 $0xFFFF8000  }
0x7e: {  	_ =	swait.ge [sflag:s31], $0x8000  }
0x7f: {  	[sflag:s31] =	ssyncset.done $0x0  }
0x80: {  	[sflag:s31] =	ssyncadd.s32 $0xFFFF8000  }
0x81: {  	[hbm4b:s9+s2] =	stream.linear.scatter [tilespmem:s22], [sflag:$0x3], $0x8000, $0x38;
	[tilespmem:$0x10400] =	vst v63  }
0x82: {  	_ =	swait.ge [sflag:s13], $0x8000  }
0x83: {  	s1 =	sadd.s32 $0x1, s1;
	s12 =	rddreg [dreg:$0x5]  }
0x84: {  	p0 =	sne.s32 s1, s12  }
.Ltmp1:
0x85: {  	_ = 	snop;
	(pc) =	sbr.rel @p0 .LBB2_1-.Ltmp1, $3  }
0x86: {  	_ =	sdelay $0x1  }
0x87: {  	[sflag:s13] =	ssyncset.done $0x0  }
0x88: {  	[sflag:s13] =	ssyncadd.s32 $0xFFFF8000  }
0x89: {  	_ =	sfence.sel $0x180000  }
0x8a: {  	[bflag:$0x0] =	sbarrier.arrive $0xFFFF  }
0x8b: {  	_ =	strace $0x90000047  }
0x8c: {  	s0 =	stileid.u32;
	[bflag:$0x2] =	sbarrier.arrive $0xFFFF  }
0x8d: {  	p0 =	sne.s32 s0, $0x0;
	s0 =	rddreg [dreg:$0x2]  }
0x8e: {  	s0 =	sadd.s32 @!p0 $0x100000, s0  }
0x8f: {  	[sflag:s0] =	ssyncadd.tile.s32 @!p0 $0x1;
	_ =	shalt  }
.Lfunc_end2:
_tile_overlayer_lowered:
.L_overlay_start_2:
0x90: {  	(tag) =	ssettag $0x2  }
0x91: {  	s0 =	rddreg [dreg:$0x0];
	s2 =	stileid.u32  }
0x92: {  	s1 =	rddreg [dreg:$0x1];
	p0 =	sne.s32 s2, $0x0  }
0x93: {  	s3 =	rddreg [dreg:$0x2];
	[bflag:$0x3] =	sbarrier.arrive $0xFFFF;
	s2 =	simm.s32 @!p0 $0x1C03  }
0x94: {  	[timem:s3], [sflag:s2] =	dma.local @!p0 [hbm:s0], s1  }
0x95: {  	s0 =	simm.s32 @!p0 $0x3  }
0x96: {  	_ =	swait.ge @!p0 [sflag:s0], s1  }
0x97: {  	s1 =	ssub.s32 @!p0 $0x0, s1;
	[sflag:s0] =	ssyncset.done @!p0 $0x0  }
0x98: {  	[sflag:s0] =	ssyncadd.s32 @!p0 s1  }
0x99: {  	[bflag:$0x3] =	sbarrier.arrive $0xFFFF  }
0x9a: {  	_ =	shalt  }

// kernel: sparse-core-data-format-call.cloned.1.call-start
scs
called_computation_lowered:
.L_overlay_start_0:
0x0: {  	s2 =	sld [smem:$0x3FD9]  }
0x1: {  	s3 =	sld [smem:$0x3FFE];
	_ =	sdelay $0x1  }
0x2: {  	s1 =	srdreg.scid  }
0x3: {  	s0 =	sand.u32 $0x1, s1  }
0x4: {  	s18 =	sshll.u32 s0, $0xA;
	s2 =	sadd.s32 s3, s2  }
0x5: {  	s2 =	sadd.s32 s2, s18  }
0x6: {  	[smem:$0x3FC6] =	sst s2  }
0x7: {  	_ = 	snop  }
0x8: {  	s2 =	sld [smem:$0x3FD0];
	(tm) =	ssettm $0x1  }
0x9: {  	s19 =	sld [smem:$0x3FFB];
	_ =	sdelay $0x3  }
0xa: {  	_ =	strace s19  }
0xb: {  	s3 =	sld [smem:$0x3FFC];
	_ =	sdelay $0x3  }
0xc: {  	_ =	strace s3  }
0xd: {  	s3 =	sld [smem:$0x3FFD];
	_ =	sdelay $0x3  }
0xe: {  	_ =	strace s3  }
0xf: {  	_ =	strace $0x8FFFFFFF  }
0x10: {  	s20 =	sld [smem:$0x3FDB];
	_ =	sdelay $0x1  }
0x11: {  	s4 =	simm.s32 $_scs_section_size  }
0x12: {  	s5 =	simm.s32 $_size__tile_overlayer_lowered;
	s6 =	simm.s32 $_tile_overlayer_lowered  }
0x13: {  	s23 =	simm.s32 $0x1BFF;
	s22 =	sshll.u32 s6, $0x1;
	s3 =	sadd.s32 s4, s20  }
0x14: {  	s7 =	simm.s32 $0x0;
	s21 =	sshll.u32 s5, $0x1;
	s5 =	sadd.s32 s22, s3  }
0x15: {  	[timem:s7], [sflag:s23] =	dma.local [hbm:s5], s21  }
0x16: {  	_ =	swait.ge [sflag:s23], s21  }
0x17: {  	s4 =	ssub.s32 $0x0, s21;
	[sflag:s23] =	ssyncset.done $0x0  }
0x18: {  	[sflag:s23] =	ssyncadd.s32 s4;
	_ =	sdelay $0x1  }
0x19: {  	s24 =	simm.s32 $0x1B8B  }
0x1a: {  	_ =	swait.ge [sflag:s24], $0x1  }
0x1b: {  	[sflag:s24] =	ssyncset.done $0x0  }
0x1c: {  	s26 =	simm.s32 $0x1B8E;
	s25 =	sld [smem:$0x3FFE];
	[sflag:s24] =	ssyncadd.s32 $0xFFFFFFFF  }
0x1d: {  	s27 =	simm.s32 $execute0_lowered;
	[smem:$0x3FD2] =	sst s26  }
0x1e: {  	s5 =	sshll.u32 s27, $0x1;
	_ =	strace $0x80000049;
	[dreg:$0x1] =	wrdreg $0xFFFFFFFF  }
0x1f: {  	s28 =	simm.s32 $_size_execute0_lowered;
	s3 =	sadd.s32 s3, s5;
	[dreg:$0x0] =	wrdreg $0x0  }
0x20: {  	s5 =	sshll.u32 s28, $0x1;
	[dreg:$0x2] =	wrdreg s3  }
0x21: {  	[dreg:$0x3] =	wrdreg s5  }
0x22: {  	[dreg:$0x4] =	wrdreg $0xC0  }
0x23: {  	_ =	task [dreg:s7], $0x5FFFF  }
0x24: {  	[dreg:$0x1] =	wrdreg $0xFFFFFFFF  }
0x25: {  	[dreg:$0x0] =	wrdreg $0x60  }
0x26: {  	[dreg:$0x2] =	wrdreg s25  }
0x27: {  	[dreg:$0x3] =	wrdreg s2  }
0x28: {  	[dreg:$0x4] =	wrdreg $0x9  }
0x29: {  	_ =	task.clear_ibuf [dreg:s7], $0x5FFFF;
	_ =	strace $0x90000049  }
0x2a: {  	s29 =	simm.s32 $0x9;
	_ =	strace $0x8000004B  }
0x2b: {  	_ =	swait.ge [sflag:s29], $0x1  }
0x2c: {  	[sflag:s29] =	ssyncadd.s32 $0xFFFFFFFF  }
0x2d: {  	_ =	strace $0x9000004B  }
0x2e: {  	_ =	sfence  }
0x2f: {  	s30 =	sld [smem:$0x0];
	_ =	sdelay $0x2  }
0x30: {  	s31 =	sshll.u32 s1, $0xD;
	s1 =	sshrl.u32 s1, $0x2  }
0x31: {  	s3 =	sand.u32 $0x4000, s31;
	s1 =	sadd.s32 s1, s30  }
0x32: {  	s0 =	sor.u32 s3, s0;
	s1 =	sshll.u32 s1, $0x11  }
0x33: {  	s0 =	sor.u32 s1, s0  }
0x34: {  	s0 =	sadd.s32 $0x8F2B, s0  }
0x35: {  	[sflag:s0] =	ssyncadd.remote.s32 $0x1  }
0x36: {  	_ =	sfence.sel $0xFFFF  }
0x37: {  	[dreg:$0x0] =	wrdreg $0xFFFFFFFF;
	(pc) =	sbr.abs _section_cstart, $3  }
0x38: {  	[dreg:$0x1] =	wrdreg $0xFFFFFFFF  }
0x39: {  	_ =	task.clear_ibuf [dreg:s7], $0x2FFFF;
	_ =	strace $0x9FFFFFFF  }
0x3a: {  	(tm) =	ssettm $0x7FFFFFFF  }
0x3b: {  	_ =	shalt  }
tec
execute0_lowered:
.L_overlay_start_1:
0x0: {  	(tag) =	ssettag $0x1  }
0x1: {  	s0 =	srdreg.scid  }
0x2: {  	s1 =	sshll.u32 s0, $0x4  }
0x3: {  	s0 =	stileid.u32;
	s1 =	sand.u32 $0x10, s1  }
0x4: {  	s1 =	sor.u32 s0, s1  }
0x5: {  	s6 =	rddreg [dreg:$0x0];
	s4 =	simm.s32 $0x1;
	s2 =	sshll.u32 s1, $0x7  }
0x6: {  	s7 =	simm.s32 $0x2;
	s12 =	simm.s32 $0x0;
	s1 =	ssub.s32 $0x1000, s2  }
0x7: {  	s8 =	simm.s32 $0x8000;
	s13 =	simm.s32 $0x0;
	s3 =	sand.u32 $0xF80, s1  }
0x8: {  	s9 =	simm.s32 $0x0;
	s5 =	sshrl.u32 s1, $0xC;
	p0 =	sne.s32 s3, $0x0  }
.Ltmp0:
0x9: {  	s1 =	rddreg [dreg:$0x2];
	s4 =	simm.s32 @!p0 $0x0;
	(pc) =	sbr.rel .LBB1_1-.Ltmp0, $4  }
0xa: {  	s11 =	simm.s32 $0x0;
	s3 =	rddreg [dreg:$0x1];
	s5 =	sadd.s32 s4, s5  }
0xb: {  	_ =	strace $0x8000004A;
	s4 =	simm.s32 $0x1;
	s5 =	smul.u32 $0xC8, s5  }
0xc: {  	s6 =	sadd.s32 $0x800, s6;
	s10 =	smov.u32 s2;
	[sflag:s4] =	ssyncpa.u1 $0x0  }
0xd: {  	p0 =	por $0x0, $0x0;
	[sflag:s7] =	ssyncpa.u1 $0x0;
	s7 =	sor.u32 $0x1, s5  }
.LBB1_4:
0xe: {  	s16 =	sshll.u32 s13, $0x3;
	s17 =	sand.u32 $0x78, s13  }
0xf: {  	s30 =	sand.u32 $0x7E00, s13;
	s12 =	sshll.u32 s12, $0xF;
	s16 =	sand.u32 $0xC00, s16  }
0x10: {  	[tilespmem:s15+$0x810 ss:$0x81] =	vst.msk $0xffff, v2;
	s31 =	sand.u32 $0x7, s13;
	s16 =	sor.u32 s17, s16;
	s17 =	sadd.s32 s3, s30  }
0x11: {  	[tilespmem:s15+$0x1020 ss:$0x81] =	vst.msk $0xffff, v0;
	s13 =	sshll.u32 s31, $0x12;
	s12 =	sadd.s32 s12, s17;
	s16 =	sshrl.u32 s16, $0x3  }
0x12: {  	[tilespmem:s15+$0x0 ss:$0x81] =	vst.msk $0xffff, v1;
	s13 =	sor.u32 $0x400, s13;
	s12 =	sadd.s32 s16, s12  }
0x13: {  	[hbm4b:s12+s13] =	stream.strided.scatter [tilespmem:s14], [sflag:$0x2], $0x2000, s8, s13, $0x20;
	[tilespmem:$0x8080] =	vst v63  }
.LBB1_5:
0x14: {  	s14 =	sadd.s32 $0x1, s9  }
0x15: {  	s12 =	sadd.s32 $0x1000, s10;
	s16 =	smov.u32 s10;
	p2 =	sgt.s32 s14, $0xC7  }
0x16: {  	s16 =	smov.u32 @p2 s12  }
0x17: {  	s14 =	simm.s32 @p2 $0x0;
	p2 =	sgt.s32 s16, $0xFFF  }
0x18: {  	s16 =	smov.u32 @p2 s2;
	p2 =	sne.s32 s11, s7  }
.Ltmp1:
0x19: {  	p1 =	slt.u32 s11, $0x2;
	(pc) =	sbr.rel @!p2 .LBB1_6-.Ltmp1, $4  }
0x1a: {  	s15 =	simm.s32 @!p1 $0x2  }
0x1b: {  	s13 =	smov.u32 s10;
	p0 =	por !p0, !p0;
	_ =	swait.ge @!p1 [sflag:s15], $0x2000  }
0x1c: {  	s12 =	smov.u32 s9;
	[sflag:s15] =	ssyncset.done @!p1 $0x0;
	s9 =	smov.u32 s14  }
0x1d: {  	s11 =	sadd.s32 $0x1, s11;
	[sflag:s15] =	ssyncadd.s32 @!p1 $0xFFFFE000;
	s10 =	smov.u32 s16  }
.LBB1_1:
0x1e: {  	p1 =	sge.u32 s11, s5  }
0x1f: {  	s14 =	sand.u32 @!p1 $0x1FFFFFF, s9  }
0x20: {  	s15 =	smulhi.u32 @!p1 $0x147AE15, s14;
	_ =	sdelay $0x1  }
0x21: {  	s15 =	smul.u32 @!p1 $0xC8, s15  }
0x22: {  	s16 =	sxor.u32 @!p1 $0xFFFFFFFF, s11;
	s17 =	smul.u32 @!p1 $0xC80, s10  }
0x23: {  	s31 =	sadd.s32 $0xFFFFFFFF, s11;
	s16 =	sshll.u32 @!p1 s16, $0xD;
	s14 =	ssub.s32 @!p1 s14, s15  }
0x24: {  	s15 =	sand.u32 @!p1 $0x2000, s16;
	s16 =	sadd.s32 @!p1 s6, s17;
	s14 =	sshll.u32 @!p1 s14, $0x4  }
0x25: {  	s17 =	simm.s32 @!p1 $0x6400;
	s14 =	sadd.s32 @!p1 s14, s16;
	s16 =	simm.s32 @!p1 $0x40  }
0x26: {  	[tilespmem:s15], [sflag:$0x1] =	stream.strided.gather @!p1 [hbm4b:s14+s16], $0x2000, s17, s16, $0x38;
	[tilespmem:$0x8080] =	vst v63  }
0x27: {  	p1 =	sge.u32 s31, s5  }
.Ltmp2:
0x28: {  	_ = 	snop;
	(pc) =	sbr.rel @p1 .LBB1_5-.Ltmp2, $1  }
0x29: {  	_ =	sdelay $0x3  }
0x2a: {  	s14 =	simm.s32 $0x1  }
0x2b: {  	_ =	swait.ge [sflag:s4], $0x2000;
	s14 =	simm.s32 @!p0 $0x0  }
0x2c: {  	[sflag:s4] =	ssyncset.done $0x0;
	s15 =	sshll.u32 s14, $0xD  }
0x2d: {  	[sflag:s4] =	ssyncadd.s32 $0xFFFFE000;
	s18 =	sor.u32 $0x20, s15  }
0x2e: {  	s14 =	smul.u32 $0x8100, s14;
	v3 =	vld [tilespmem:s18+$0x10]  }
0x2f: {  	s30 =	sand.u32 $0x1, s11;
	v2 =	vld [tilespmem:s18+$0xFFFFFFF0]  }
0x30: {  	s15 =	smul.u32 $0x8100, s30;
	s14 =	sshrl.u32 s14, $0x2;
	v0 =	vld [tilespmem:s18+$0x0]  }
0x31: {  	v1 =	vld [tilespmem:s18+$0xFFFFFFE0];
	s16 =	sor.u32 $0x4000, s14  }
0x32: {  	s31 =	sshrl.u32 s15, $0x2;
	s15 =	sadd.s32 $0x0, s16  }
0x33: {  	s17 =	simm.s32 $0x4;
	s18 =	sadd.s32 $0x40, s18;
	s14 =	sor.u32 $0x4000, s31;
	[tilespmem:s15+$0x1830 ss:$0x81] =	vst.msk $0xffff, v3  }
.LBB1_3:
0x34: {  	v3 =	vld [tilespmem:s18+$0x10];
	p1 =	sne.s32 s17, $0x1FC;
	[tilespmem:s15+$0x810 ss:$0x81] =	vst.msk $0xffff, v2;
	s19 =	smov.u32 s17;
	s17 =	sadd.s32 $0x4, s17  }
.Ltmp3:
0x35: {  	v2 =	vld [tilespmem:s18+$0xFFFFFFF0];
	[tilespmem:s15+$0x1020 ss:$0x81] =	vst.msk $0xffff, v0;
	(pc) =	sbr.rel @p1 .LBB1_3-.Ltmp3, $4  }
0x36: {  	v0 =	vld [tilespmem:s18+$0x0];
	[tilespmem:s15+$0x0 ss:$0x81] =	vst.msk $0xffff, v1  }
0x37: {  	s15 =	sshra.s32 s19, $0x2;
	v1 =	vld [tilespmem:s18+$0xFFFFFFE0]  }
0x38: {  	s15 =	sadd.s32 s15, s16  }
0x39: {  	s18 =	sadd.s32 $0x40, s18;
	[tilespmem:s15+$0x1830 ss:$0x81] =	vst.msk $0xffff, v3  }
.Ltmp4:
0x3a: {  	_ = 	snop;
	(pc) =	sbr.rel .LBB1_4-.Ltmp4, $1  }
0x3b: {  	_ =	sdelay $0x3  }
.LBB1_6:
0x3c: {  	_ =	sfence.sel $0x180000  }
0x3d: {  	s2 =	simm.s32 $0x1;
	[bflag:$0x0] =	sbarrier.arrive $0xFFFF  }
0x3e: {  	s31 =	simm.s32 $0x2;
	[sflag:s2] =	ssyncpa.u1 $0x1  }
0x3f: {  	[sflag:s31] =	ssyncpa.u1 $0x1  }
0x40: {  	p0 =	sne.s32 s0, $0x0;
	_ =	strace $0x9000004A  }
0x41: {  	s0 =	sadd.s32 @!p0 $0x100000, s1;
	[bflag:$0x2] =	sbarrier.arrive $0xFFFF  }
0x42: {  	[sflag:s0] =	ssyncadd.tile.s32 @!p0 $0x1;
	_ =	shalt  }
.Lfunc_end1:
_tile_overlayer_lowered:
.L_overlay_start_2:
0x43: {  	(tag) =	ssettag $0x2  }
0x44: {  	s0 =	rddreg [dreg:$0x0];
	s2 =	stileid.u32  }
0x45: {  	s1 =	rddreg [dreg:$0x1];
	p0 =	sne.s32 s2, $0x0  }
0x46: {  	s3 =	rddreg [dreg:$0x2];
	[bflag:$0x3] =	sbarrier.arrive $0xFFFF;
	s2 =	simm.s32 @!p0 $0x1C01  }
0x47: {  	[timem:s3], [sflag:s2] =	dma.local @!p0 [hbm:s0], s1  }
0x48: {  	s0 =	simm.s32 @!p0 $0x1  }
0x49: {  	_ =	swait.ge @!p0 [sflag:s0], s1  }
0x4a: {  	s1 =	ssub.s32 @!p0 $0x0, s1;
	[sflag:s0] =	ssyncset.done @!p0 $0x0  }
0x4b: {  	[sflag:s0] =	ssyncadd.s32 @!p0 s1  }
0x4c: {  	[bflag:$0x3] =	sbarrier.arrive $0xFFFF  }
0x4d: {  	_ =	shalt  }

</sc_bundles>
